<compile_context>
chip_gen: v7x
topology: tpu7x:2x2x1
jax: 0.10.2.dev20260603
libtpu: 0.0.44.dev20260713+nightly
codegen_flags: <defaults>
</compile_context>

<pallas_src>
import functools

import jax
import jax.numpy as jnp
from jax.experimental import pallas as pl
from jax.experimental.pallas import tpu as pltpu

_RADIUS = 0.015
_IT = 512
_JT = 8192
_XR = 72


def _fused_body(xa_ref, ipt_ref, opt_ref, out_ref, acc_ref):
    j = pl.program_id(1)
    nj = pl.num_programs(1)

    @pl.when(j == 0)
    def _init():
        acc_ref[...] = jnp.zeros_like(acc_ref)

    opb = opt_ref[...]
    ipt = ipt_ref[...]
    no2 = jnp.sum(opb * opb, axis=1, keepdims=True)
    ni2 = jnp.sum(ipt * ipt, axis=0, keepdims=True)
    so = jnp.sum(opb, axis=1, keepdims=True)
    si = jnp.sum(ipt, axis=0, keepdims=True)

    opl = (2.0 * opb).astype(jnp.bfloat16)
    ipl = ipt.astype(jnp.bfloat16)
    dot2 = jax.lax.dot_general(
        opl, ipl, (((1,), (0,)), ((), ())),
        preferred_element_type=jnp.float32)

    d2 = (no2 + ni2) - dot2
    eterm = (no2 - 2.0 * so) + (ni2 + 2.0 * si + 3.0)
    w = jnp.where(d2 < _RADIUS * _RADIUS, jax.lax.rsqrt(eterm - dot2), 0.0)

    xa = xa_ref[...]
    acc_ref[...] += jax.lax.dot_general(
        xa, w, (((1,), (1,)), ((), ())),
        preferred_element_type=jnp.float32)

    @pl.when(j == nj - 1)
    def _finalize():
        acc = acc_ref[...]
        num = acc[:64, :]
        dem = acc[64:65, :]
        dem = jnp.where(dem > 0.0, dem, 1.0)
        out_ref[...] = num / dem


@jax.jit
def kernel(x, inp_positions, out_positions):
    b, n_in = x.shape
    n_out = out_positions.shape[0]
    perm_in = jnp.argsort(inp_positions[:, 0])
    perm_out = jnp.argsort(out_positions[:, 0])
    inv_out = jnp.argsort(perm_out)
    x = x[:, perm_in]
    inp_positions = inp_positions[perm_in]
    out_positions = out_positions[perm_out]
    xa = jnp.concatenate(
        [x,
         jnp.ones((1, n_in), dtype=x.dtype),
         jnp.zeros((_XR - b - 1, n_in), dtype=x.dtype)], axis=0)
    ipt = jnp.concatenate(
        [inp_positions.T, jnp.zeros((5, n_in), inp_positions.dtype)], axis=0)
    opb = jnp.concatenate(
        [out_positions, jnp.zeros((n_out, 5), out_positions.dtype)], axis=1)

    grid = (n_out // _IT, n_in // _JT)
    out = pl.pallas_call(
        _fused_body,
        grid=grid,
        in_specs=[
            pl.BlockSpec((_XR, _JT), lambda i, j: (0, j)),
            pl.BlockSpec((8, _JT), lambda i, j: (0, j)),
            pl.BlockSpec((_IT, 8), lambda i, j: (i, 0)),
        ],
        out_specs=pl.BlockSpec((b, _IT), lambda i, j: (0, i)),
        out_shape=jax.ShapeDtypeStruct((b, n_out), x.dtype),
        scratch_shapes=[pltpu.VMEM((_XR, _IT), jnp.float32)],
        compiler_params=pltpu.CompilerParams(
            dimension_semantics=("arbitrary", "arbitrary")),
    )(xa, ipt, opb)
    return out[:, inv_out]

# --- scband reference (transcript-rebuilt; emitter-appended) ---
"""Pipeline reference for scband-kiwdball-changer-53017076302315 (READ-ONLY COPY).

The authoritative reference and input builder live on the scoring server;
editing this copy changes nothing except your own understanding.
"""

import jax, jax.numpy as jnp
import numpy as np

RADIUS = 0.015


def setup_inputs(seed: int = 0) -> dict:
    key = jax.random.key(seed)
    k1, k2, k3 = jax.random.split(key, 3)
    # Scale positions into [0, 0.2]^3 so that radius=0.015 yields ~14 neighbors per
    # output point (the module's external compute_list would otherwise return ~0 pairs
    # for points uniform in the unit cube).
    inp_positions = jax.random.uniform(k1, (8192, 3), dtype=jnp.float32) * 0.2
    out_positions = jax.random.uniform(k2, (8192, 3), dtype=jnp.float32) * 0.2
    x = jax.random.normal(k3, (64, 8192), dtype=jnp.float32)
    return {"x": x, "inp_positions": inp_positions, "out_positions": out_positions}


def _compute_list(inp_positions, out_positions, r):
    # Pairs (i_out, j_in) with ||out_i - inp_j|| < r. Mirrors the external
    # compute_list(inp_positions, out_positions, r) used by the torch module:
    # row index indexes out_positions, col index indexes inp_positions.
    d2 = (jnp.sum(out_positions ** 2, axis=1)[:, None]
          + jnp.sum(inp_positions ** 2, axis=1)[None, :]
          - 2.0 * out_positions @ inp_positions.T)
    return d2 < r * r


def reference(x, inp_positions, out_positions):
    mask = _compute_list(inp_positions, out_positions, RADIUS)
    n_out = out_positions.shape[0]
    n_in = inp_positions.shape[0]
    # y[i, j] = ones + inp_positions[j] - out_positions[i]; w = 1/||y||
    y = (jnp.ones((n_out, n_in, 3), dtype=x.dtype)
         + inp_positions[None, :, :] - out_positions[:, None, :])
    w = 1.0 / jnp.linalg.norm(y, axis=2)
    w = jnp.where(mask, w, jnp.zeros((), dtype=w.dtype))
    # spmm(list, w, n_out, n_in, x^T): num[b, i] = sum_{(i,j)} w_{ij} * x[b, j]
    num = jnp.matmul(x, w.T, precision=jax.lax.Precision.HIGHEST)  # [B, n_out]
    # dem uses ones_like(x), so it is the same row-sum of weights for every batch row
    dem = jnp.sum(w, axis=1)  # [n_out]
    dem = jnp.where(dem > 0, dem, 1.0)
    return num / dem[None, :]

if __name__ == "__main__":
    import jax
    _d = setup_inputs()
    print(jax.jit(kernel)(*tuple(_d.values())))

</pallas_src>

<mosaic_0001>
module attributes {stable_mosaic.version = 14 : i64} {
  func.func @_fused_body(%arg0: i32, %arg1: i32, %arg2: memref<72x8192xf32, #tpu.memory_space<vmem>>, %arg3: memref<8x8192xf32, #tpu.memory_space<vmem>>, %arg4: memref<512x8xf32, #tpu.memory_space<vmem>>, %arg5: memref<64x512xf32, #tpu.memory_space<vmem>>, %arg6: memref<72x512xf32, #tpu.memory_space<vmem>>) attributes {dimension_semantics = [#tpu.dimension_semantics<arbitrary>, #tpu.dimension_semantics<arbitrary>], iteration_bounds = array<i64: 16, 1>, scalar_prefetch = 0 : i64, scratch_operands = 1 : i64, tpu.core_type = #tpu.core_type<tc>, window_params = [{transform_indices = @transform_0, window_bounds = array<i64: 72, 8192>}, {transform_indices = @transform_1, window_bounds = array<i64: 8, 8192>}, {transform_indices = @transform_2, window_bounds = array<i64: 512, 8>}, {transform_indices = @transform_3, window_bounds = array<i64: 64, 512>}]} {
    %eq3A = arith.constant 0 : i32
    %eq3A_0 = arith.cmpi eq, %arg1, %eq3A : i32
    %convert_element_type3A = arith.extui %eq3A_0 : i1 to i32
    %cond3A = arith.constant 0 : i32
    %cond3A_1 = arith.cmpi ne, %convert_element_type3A, %cond3A : i32
    scf.if %cond3A_1 {
      %broadcast_in_dim3A_60 = arith.constant 0.000000e+00 : f32
      %broadcast_in_dim3A_61 = vector.broadcast %broadcast_in_dim3A_60 : f32 to vector<72x512xf32>
      %swap3A_62 = arith.constant 0 : index
      %swap3A_63 = arith.constant 0 : index
      %swap3A_64 = vector.load %arg6[%swap3A_62, %swap3A_63] : memref<72x512xf32, #tpu.memory_space<vmem>>, vector<72x512xf32>
      tpu.vector_store %arg6[%swap3A_62, %swap3A_63], %broadcast_in_dim3A_61 {strides = array<i32>} : memref<72x512xf32, #tpu.memory_space<vmem>>, vector<72x512xf32>,
    } else {
    }
    %get3A = arith.constant 0 : index
    %get3A_2 = arith.constant 0 : index
    %get3A_3 = vector.load %arg4[%get3A, %get3A_2] : memref<512x8xf32, #tpu.memory_space<vmem>>, vector<512x8xf32>
    %get3A_4 = arith.constant 0 : index
    %get3A_5 = arith.constant 0 : index
    %get3A_6 = vector.load %arg3[%get3A_4, %get3A_5] : memref<8x8192xf32, #tpu.memory_space<vmem>>, vector<8x8192xf32>
    %mul3A = arith.mulf %get3A_3, %get3A_3 : vector<512x8xf32>
    %reduce_sum3A = arith.constant dense<0.000000e+00> : vector<512xf32>
    %reduce_sum3A_7 = vector.multi_reduction <add>, %mul3A, %reduce_sum3A [1] : vector<512x8xf32> to vector<512xf32>
    %broadcast_in_dim3A = vector.shape_cast %reduce_sum3A_7 : vector<512xf32> to vector<512x1xf32>
    %mul3A_8 = arith.mulf %get3A_6, %get3A_6 : vector<8x8192xf32>
    %reduce_sum3A_9 = arith.constant dense<0.000000e+00> : vector<8192xf32>
    %reduce_sum3A_10 = vector.multi_reduction <add>, %mul3A_8, %reduce_sum3A_9 [0] : vector<8x8192xf32> to vector<8192xf32>
    %broadcast_in_dim3A_11 = vector.shape_cast %reduce_sum3A_10 : vector<8192xf32> to vector<1x8192xf32>
    %reduce_sum3A_12 = arith.constant dense<0.000000e+00> : vector<512xf32>
    %reduce_sum3A_13 = vector.multi_reduction <add>, %get3A_3, %reduce_sum3A_12 [1] : vector<512x8xf32> to vector<512xf32>
    %broadcast_in_dim3A_14 = vector.shape_cast %reduce_sum3A_13 : vector<512xf32> to vector<512x1xf32>
    %reduce_sum3A_15 = arith.constant dense<0.000000e+00> : vector<8192xf32>
    %reduce_sum3A_16 = vector.multi_reduction <add>, %get3A_6, %reduce_sum3A_15 [0] : vector<8x8192xf32> to vector<8192xf32>
    %broadcast_in_dim3A_17 = vector.shape_cast %reduce_sum3A_16 : vector<8192xf32> to vector<1x8192xf32>
    %mul3A_18 = arith.constant 2.000000e+00 : f32
    %mul3A_19 = vector.broadcast %mul3A_18 : f32 to vector<512x8xf32>
    %mul3A_20 = arith.mulf %mul3A_19, %get3A_3 : vector<512x8xf32>
    %convert_element_type3A_21 = arith.truncf %mul3A_20 : vector<512x8xf32> to vector<512x8xbf16>
    %convert_element_type3A_22 = arith.truncf %get3A_6 : vector<8x8192xf32> to vector<8x8192xbf16>
    %dot_general3A = arith.constant dense<0.000000e+00> : vector<512x8192xf32>
    %dot_general3A_23 = tpu.matmul %convert_element_type3A_21, %convert_element_type3A_22, %dot_general3A {dimension_numbers = #tpu.dot_dimension_numbers<[1], [0], [0], [1], [0, 0, 1, 1], [], []>, transpose_lhs_hint = false} : vector<512x8xbf16>, vector<8x8192xbf16>, vector<512x8192xf32> -> vector<512x8192xf32>
    %add3A = vector.broadcast %broadcast_in_dim3A : vector<512x1xf32> to vector<512x8192xf32>
    %add3A_24 = vector.broadcast %broadcast_in_dim3A_11 : vector<1x8192xf32> to vector<512x8192xf32>
    %add3A_25 = arith.addf %add3A, %add3A_24 : vector<512x8192xf32>
    %sub3A = arith.subf %add3A_25, %dot_general3A_23 : vector<512x8192xf32>
    %mul3A_26 = arith.constant 2.000000e+00 : f32
    %mul3A_27 = vector.broadcast %mul3A_26 : f32 to vector<512x1xf32>
    %mul3A_28 = arith.mulf %mul3A_27, %broadcast_in_dim3A_14 : vector<512x1xf32>
    %sub3A_29 = arith.subf %broadcast_in_dim3A, %mul3A_28 : vector<512x1xf32>
    %mul3A_30 = arith.constant 2.000000e+00 : f32
    %mul3A_31 = vector.broadcast %mul3A_30 : f32 to vector<1x8192xf32>
    %mul3A_32 = arith.mulf %mul3A_31, %broadcast_in_dim3A_17 : vector<1x8192xf32>
    %add3A_33 = arith.addf %broadcast_in_dim3A_11, %mul3A_32 : vector<1x8192xf32>
    %add3A_34 = arith.constant 3.000000e+00 : f32
    %add3A_35 = vector.broadcast %add3A_34 : f32 to vector<1x8192xf32>
    %add3A_36 = arith.addf %add3A_33, %add3A_35 : vector<1x8192xf32>
    %add3A_37 = vector.broadcast %sub3A_29 : vector<512x1xf32> to vector<512x8192xf32>
    %add3A_38 = vector.broadcast %add3A_36 : vector<1x8192xf32> to vector<512x8192xf32>
    %add3A_39 = arith.addf %add3A_37, %add3A_38 : vector<512x8192xf32>
    %lt3A = arith.constant 2.250000e-04 : f32
    %lt3A_40 = vector.broadcast %lt3A : f32 to vector<512x8192xf32>
    %lt3A_41 = arith.cmpf olt, %sub3A, %lt3A_40 : vector<512x8192xf32>
    %sub3A_42 = arith.subf %add3A_39, %dot_general3A_23 : vector<512x8192xf32>
    %rsqrt3A = math.rsqrt %sub3A_42 : vector<512x8192xf32>
    %jit3A = arith.constant 0.000000e+00 : f32
    %broadcast_in_dim3A_43 = vector.broadcast %jit3A : f32 to vector<512x8192xf32>
    %select_n3A = arith.select %lt3A_41, %rsqrt3A, %broadcast_in_dim3A_43 : vector<512x8192xi1>, vector<512x8192xf32>
    %get3A_44 = arith.constant 0 : index
    %get3A_45 = arith.constant 0 : index
    %get3A_46 = vector.load %arg2[%get3A_44, %get3A_45] : memref<72x8192xf32, #tpu.memory_space<vmem>>, vector<72x8192xf32>
    %get3A_47 = arith.constant 0 : index
    %get3A_48 = arith.constant 0 : index
    %get3A_49 = vector.load %arg6[%get3A_47, %get3A_48] : memref<72x512xf32, #tpu.memory_space<vmem>>, vector<72x512xf32>
    %dot_general3A_50 = arith.constant dense<0.000000e+00> : vector<72x512xf32>
    %dot_general3A_51 = tpu.matmul %get3A_46, %select_n3A, %dot_general3A_50 {dimension_numbers = #tpu.dot_dimension_numbers<[1], [1], [0], [0], [0, 0, 1, 0], [], []>, transpose_lhs_hint = false} : vector<72x8192xf32>, vector<512x8192xf32>, vector<72x512xf32> -> vector<72x512xf32>
    %add3A_52 = arith.addf %get3A_49, %dot_general3A_51 : vector<72x512xf32>
    %swap3A = arith.constant 0 : index
    %swap3A_53 = arith.constant 0 : index
    %swap3A_54 = vector.load %arg6[%swap3A, %swap3A_53] : memref<72x512xf32, #tpu.memory_space<vmem>>, vector<72x512xf32>
    tpu.vector_store %arg6[%swap3A, %swap3A_53], %add3A_52 {strides = array<i32>} : memref<72x512xf32, #tpu.memory_space<vmem>>, vector<72x512xf32>,
    %eq3A_55 = arith.constant 0 : i32
    %eq3A_56 = arith.cmpi eq, %arg1, %eq3A_55 : i32
    %convert_element_type3A_57 = arith.extui %eq3A_56 : i1 to i32
    %cond3A_58 = arith.constant 0 : i32
    %cond3A_59 = arith.cmpi ne, %convert_element_type3A_57, %cond3A_58 : i32
    scf.if %cond3A_59 {
      %get3A_60 = arith.constant 0 : index
      %get3A_61 = arith.constant 0 : index
      %get3A_62 = vector.load %arg6[%get3A_60, %get3A_61] : memref<72x512xf32, #tpu.memory_space<vmem>>, vector<72x512xf32>
      %slice3A = vector.extract_strided_slice %get3A_62 {offsets = [0, 0], sizes = [64, 512], strides = [1, 1]} : vector<72x512xf32> to vector<64x512xf32>
      %slice3A_63 = vector.extract_strided_slice %get3A_62 {offsets = [64, 0], sizes = [1, 512], strides = [1, 1]} : vector<72x512xf32> to vector<1x512xf32>
      %gt3A = arith.constant 0.000000e+00 : f32
      %gt3A_64 = vector.broadcast %gt3A : f32 to vector<1x512xf32>
      %gt3A_65 = arith.cmpf ogt, %slice3A_63, %gt3A_64 : vector<1x512xf32>
      %jit3A_66 = arith.constant 1.000000e+00 : f32
      %broadcast_in_dim3A_67 = vector.broadcast %jit3A_66 : f32 to vector<1x512xf32>
      %select_n3A_68 = arith.select %gt3A_65, %slice3A_63, %broadcast_in_dim3A_67 : vector<1x512xi1>, vector<1x512xf32>
      %div3A = vector.broadcast %select_n3A_68 : vector<1x512xf32> to vector<64x512xf32>
      %div3A_69 = arith.divf %slice3A, %div3A : vector<64x512xf32>
      %swap3A_70 = arith.constant 0 : index
      %swap3A_71 = arith.constant 0 : index
      %swap3A_72 = vector.load %arg5[%swap3A_70, %swap3A_71] : memref<64x512xf32, #tpu.memory_space<vmem>>, vector<64x512xf32>
      tpu.vector_store %arg5[%swap3A_70, %swap3A_71], %div3A_69 {strides = array<i32>} : memref<64x512xf32, #tpu.memory_space<vmem>>, vector<64x512xf32>,
    } else {
    }
    return
  }
  func.func @transform_0(%arg0: i32, %arg1: i32) -> (i32, i32) {
    %c0_i32 = arith.constant 0 : i32
    %c0_i32_0 = arith.constant 0 : i32
    return %c0_i32, %arg1 : i32, i32
  }
  func.func @transform_1(%arg0: i32, %arg1: i32) -> (i32, i32) {
    %c0_i32 = arith.constant 0 : i32
    %c0_i32_0 = arith.constant 0 : i32
    return %c0_i32, %arg1 : i32, i32
  }
  func.func @transform_2(%arg0: i32, %arg1: i32) -> (i32, i32) {
    %c0_i32 = arith.constant 0 : i32
    %c0_i32_0 = arith.constant 0 : i32
    return %arg0, %c0_i32 : i32, i32
  }
  func.func @transform_3(%arg0: i32, %arg1: i32) -> (i32, i32) {
    %c0_i32 = arith.constant 0 : i32
    %c0_i32_0 = arith.constant 0 : i32
    return %c0_i32, %arg0 : i32, i32
  }
}

</mosaic_0001>

<sc_bundles>
// kernel: gather_offload_async_start.1
scs
__scs_entry_jumppad:
0x0: {  	(pc) =	sbr.rel $0x88, $3  }
0x1: {  	(tag) =	ssettag $0x0;
	lr =	simm.s32 $0x1  }
0x2: {  	[smem:$0x3F9E] =	sst lr;
	_ =	strace $0xD0000000  }
0x3: {  	_ = 	snop  }
0x4: {  	_ = 	snop  }
0x5: {  	_ = 	snop  }
0x6: {  	_ = 	snop  }
0x7: {  	_ = 	snop  }
__scs_overlays_trampoline_lowered:
0x8: {  	[smem:$0x3FAD] =	sst s0  }
0x9: {  	[smem:$0x3FAE] =	sst s1  }
0xa: {  	[smem:$0x3FAF] =	sst s2  }
0xb: {  	[smem:$0x3FB0] =	sst s3  }
0xc: {  	[smem:$0x3FB1] =	sst s4  }
0xd: {  	[smem:$0x3FB2] =	sst s5  }
0xe: {  	[smem:$0x3FB3] =	sst s6  }
0xf: {  	[smem:$0x3FB4] =	sst s7  }
0x10: {  	[smem:$0x3FB5] =	sst s8  }
0x11: {  	[smem:$0x3FB6] =	sst s9;
	s0 =	simm.s32 @!p0 $0x0  }
0x12: {  	s1 =	sld [smem:$0x3F9C];
	s0 =	simm.s32 @p0 $0x1  }
0x13: {  	[smem:$0x3FB7] =	sst s0;
	s0 =	simm.s32 @!p1 $0x0  }
0x14: {  	s2 =	sld [smem:$0x3F9B];
	s0 =	simm.s32 @p1 $0x1  }
0x15: {  	[smem:$0x3FB8] =	sst s0;
	s0 =	simm.s32 @!p2 $0x0  }
0x16: {  	s3 =	sld [smem:$0x3FDB];
	s0 =	simm.s32 @p2 $0x1  }
0x17: {  	s4 =	simm.s32 $0x1BF5;
	[smem:$0x3FBA] =	sst s0  }
0x18: {  	s0 =	sld [smem:$0x3F9D];
	_ =	swait.ge [sflag:s4], $0x0  }
0x19: {  	s7 =	sld [smem:$0x3F9E]  }
0x1a: {  	s8 =	sadd.s32 $0xFFFFE003, lr  }
0x1b: {  	s9 =	sadd.s32 $0xFFFFFEF7, lr;
	s5 =	simm.s32 $0xFFFFFFFF;
	p2 =	slt.u32 s8, $0xFFFFF086  }
0x1c: {  	p1 =	slt.u32 s9, $0xF7A;
	s5 =	simm.s32 @!p2 $0x0  }
0x1d: {  	s5 =	simm.s32 @p1 $0x1;
	p0 =	seq.s32 s7, s2  }
0x1e: {  	s7 =	smul.u32 @!p0 $0xF7A, s2;
	p2 =	seq.s32 @!p0 s5, $0x0  }
0x1f: {  	s9 =	smul.u32 $0xF7A, s1;
	s8 =	simm.s32 @!p0 $0x1BF5;
	p2 =	por !p2, p0  }
0x20: {  	[sflag:s8] =	ssyncset.s32 @!p0 $0xFFFFF086;
	s6 =	sadd.s32 @!p0 s3, s7;
	s7 =	simm.s32 @!p0 $0x108  }
0x21: {  	s3 =	sadd.s32 s3, s9;
	s6 =	sadd.s32 @!p0 $0x88, s6;
	s7 =	simm.s32 @p2 $0x1082  }
0x22: {  	[simem:s7], [sflag:s8] =	dma.local @!p0 [hbm:s6], $0xF7A  }
0x23: {  	s9 =	sor.u32 $0xD0000000, s2;
	s6 =	simm.s32 $0x108;
	_ =	swait.ge @!p0 [sflag:s8], $0x0  }
0x24: {  	s3 =	sadd.s32 $0x88, s3;
	s6 =	simm.s32 @!p1 $0x1082;
	[sflag:s4] =	ssyncset.s32 $0xFFFFF086  }
0x25: {  	[simem:s6], [sflag:s4] =	dma.local [hbm:s3], $0xF7A  }
0x26: {  	[smem:$0x3F9E] =	sst s1;
	(tag) =	ssettag s2;
	_ =	strace s9  }
0x27: {  	s1 =	sld [smem:$0x3FAE]  }
0x28: {  	s2 =	sld [smem:$0x3FAF]  }
0x29: {  	s4 =	sld [smem:$0x3FB1]  }
0x2a: {  	p0 =	seq.s32 s5, $0x0;
	s5 =	sld [smem:$0x3FB2]  }
0x2b: {  	s6 =	sld [smem:$0x3FB3]  }
0x2c: {  	s7 =	sld [smem:$0x3FB4]  }
0x2d: {  	s3 =	simm.s32 $0x108;
	s8 =	sld [smem:$0x3FB5]  }
0x2e: {  	s3 =	simm.s32 @!p0 $0x1082;
	s9 =	sld [smem:$0x3FB6]  }
0x2f: {  	lr =	sadd.s32 s0, s3;
	s0 =	sld [smem:$0x3FAD]  }
0x30: {  	s3 =	sld [smem:$0x3FB0]  }
0x31: {  	[smem:$0x3FB9] =	sst s10  }
0x32: {  	s10 =	sld [smem:$0x3FB7];
	_ =	sdelay $0x3  }
0x33: {  	p0 =	seq.s32 s10, $0x1;
	s10 =	sld [smem:$0x3FB9];
	_ =	sdelay $0x3  }
0x34: {  	[smem:$0x3FB9] =	sst s10  }
0x35: {  	s10 =	sld [smem:$0x3FB8];
	_ =	sdelay $0x3  }
0x36: {  	p1 =	seq.s32 s10, $0x1;
	s10 =	sld [smem:$0x3FB9];
	_ =	sdelay $0x3  }
0x37: {  	[smem:$0x3FB9] =	sst s10  }
0x38: {  	s10 =	sld [smem:$0x3FBA]  }
0x39: {  	_ = 	snop;
	(pc) =	sbr.ind lr, $3  }
0x3a: {  	_ = 	snop  }
0x3b: {  	_ = 	snop  }
0x3c: {  	p2 =	seq.s32 s10, $0x1;
	s10 =	sld [smem:$0x3FB9]  }
0x3d: {  	_ =	shalt  }
0x3e: {  	_ =	shalt  }
0x3f: {  	_ =	shalt  }
0x40: {  	_ =	shalt  }
0x41: {  	_ =	shalt  }
0x42: {  	_ =	shalt  }
0x43: {  	_ =	shalt  }
0x44: {  	_ =	shalt  }
0x45: {  	_ =	shalt  }
0x46: {  	_ =	shalt  }
0x47: {  	_ =	shalt  }
0x48: {  	_ =	shalt  }
0x49: {  	_ =	shalt  }
0x4a: {  	_ =	shalt  }
0x4b: {  	_ =	shalt  }
0x4c: {  	_ =	shalt  }
0x4d: {  	_ =	shalt  }
0x4e: {  	_ =	shalt  }
0x4f: {  	_ =	shalt  }
0x50: {  	_ =	shalt  }
0x51: {  	_ =	shalt  }
0x52: {  	_ =	shalt  }
0x53: {  	_ =	shalt  }
0x54: {  	_ =	shalt  }
0x55: {  	_ =	shalt  }
0x56: {  	_ =	shalt  }
0x57: {  	_ =	shalt  }
0x58: {  	_ =	shalt  }
0x59: {  	_ =	shalt  }
0x5a: {  	_ =	shalt  }
0x5b: {  	_ =	shalt  }
0x5c: {  	_ =	shalt  }
0x5d: {  	_ =	shalt  }
0x5e: {  	_ =	shalt  }
0x5f: {  	_ =	shalt  }
0x60: {  	_ =	shalt  }
0x61: {  	_ =	shalt  }
0x62: {  	_ =	shalt  }
0x63: {  	_ =	shalt  }
0x64: {  	_ =	shalt  }
0x65: {  	_ =	shalt  }
0x66: {  	_ =	shalt  }
0x67: {  	_ =	shalt  }
0x68: {  	_ =	shalt  }
0x69: {  	_ =	shalt  }
0x6a: {  	_ =	shalt  }
0x6b: {  	_ =	shalt  }
0x6c: {  	_ =	shalt  }
0x6d: {  	_ =	shalt  }
0x6e: {  	_ =	shalt  }
0x6f: {  	_ =	shalt  }
0x70: {  	_ =	shalt  }
0x71: {  	_ =	shalt  }
0x72: {  	_ =	shalt  }
0x73: {  	_ =	shalt  }
0x74: {  	_ =	shalt  }
0x75: {  	_ =	shalt  }
0x76: {  	_ =	shalt  }
0x77: {  	_ =	shalt  }
0x78: {  	_ =	shalt  }
0x79: {  	_ =	shalt  }
0x7a: {  	_ =	shalt  }
0x7b: {  	_ =	shalt  }
0x7c: {  	_ =	shalt  }
0x7d: {  	_ =	shalt  }
0x7e: {  	_ =	shalt  }
0x7f: {  	_ =	shalt  }
0x80: {  	_ =	shalt  }
0x81: {  	_ =	shalt  }
0x82: {  	_ =	shalt  }
0x83: {  	_ =	shalt  }
0x84: {  	_ =	shalt  }
0x85: {  	_ =	shalt  }
0x86: {  	_ =	shalt  }
0x87: {  	_ =	shalt  }
.Lfunc_end0:
.L_simem_size_0:
called_computation.1_lowered:
.L_overlay_start_0:
0x88: {  	s2 =	sld [smem:$0x3FD9]  }
0x89: {  	s3 =	sld [smem:$0x3FFE];
	_ =	sdelay $0x1  }
0x8a: {  	s1 =	srdreg.scid  }
0x8b: {  	s0 =	sand.u32 $0x1, s1  }
0x8c: {  	s17 =	sshll.u32 s0, $0xA;
	s2 =	sadd.s32 s3, s2  }
0x8d: {  	s2 =	sadd.s32 s2, s17  }
0x8e: {  	[smem:$0x3FC5] =	sst s2  }
0x8f: {  	_ = 	snop  }
0x90: {  	s2 =	sld [smem:$0x3FD0];
	(tm) =	ssettm $0x1  }
0x91: {  	s18 =	sld [smem:$0x3FFB];
	_ =	sdelay $0x3  }
0x92: {  	_ =	strace s18  }
0x93: {  	s3 =	sld [smem:$0x3FFC];
	_ =	sdelay $0x3  }
0x94: {  	_ =	strace s3  }
0x95: {  	s3 =	sld [smem:$0x3FFD];
	_ =	sdelay $0x3  }
0x96: {  	_ =	strace s3  }
0x97: {  	_ =	strace $0x8FFFFFFF  }
0x98: {  	s19 =	sld [smem:$0x3FDB];
	_ =	sdelay $0x1  }
0x99: {  	s4 =	simm.s32 $_scs_section_size  }
0x9a: {  	s5 =	simm.s32 $_size__tile_overlayer_lowered;
	s6 =	simm.s32 $_tile_overlayer_lowered  }
0x9b: {  	s22 =	simm.s32 $0x1BFF;
	s21 =	sshll.u32 s6, $0x1;
	s3 =	sadd.s32 s4, s19  }
0x9c: {  	s7 =	simm.s32 $0x0;
	s20 =	sshll.u32 s5, $0x1;
	s5 =	sadd.s32 s21, s3  }
0x9d: {  	[timem:s7], [sflag:s22] =	dma.local [hbm:s5], s20  }
0x9e: {  	_ =	swait.ge [sflag:s22], s20  }
0x9f: {  	s4 =	ssub.s32 $0x0, s20;
	[sflag:s22] =	ssyncset.done $0x0  }
0xa0: {  	[sflag:s22] =	ssyncadd.s32 s4;
	_ =	sdelay $0x1  }
0xa1: {  	s23 =	simm.s32 $0x1B8B  }
0xa2: {  	_ =	swait.ge [sflag:s23], $0x1  }
0xa3: {  	[sflag:s23] =	ssyncset.done $0x0  }
0xa4: {  	s25 =	simm.s32 $0x1B8E;
	s24 =	sld [smem:$0x3FFE];
	[sflag:s23] =	ssyncadd.s32 $0xFFFFFFFF  }
0xa5: {  	s26 =	simm.s32 $execute0_lowered;
	[smem:$0x3FD2] =	sst s25  }
0xa6: {  	s5 =	sshll.u32 s26, $0x1;
	_ =	strace $0x80000046;
	[dreg:$0x1] =	wrdreg $0xFFFFFFFF  }
0xa7: {  	s28 =	simm.s32 $_size_execute0_lowered;
	s3 =	sadd.s32 s3, s5;
	[dreg:$0x0] =	wrdreg $0x0  }
0xa8: {  	s5 =	sshll.u32 s28, $0x1;
	[dreg:$0x2] =	wrdreg s3  }
0xa9: {  	[dreg:$0x3] =	wrdreg s5  }
0xaa: {  	[dreg:$0x4] =	wrdreg $0xC0  }
0xab: {  	_ =	task [dreg:s7], $0x5FFFF  }
0xac: {  	[dreg:$0x1] =	wrdreg $0xFFFFFFFF  }
0xad: {  	[dreg:$0x0] =	wrdreg $0x60  }
0xae: {  	[dreg:$0x2] =	wrdreg s24  }
0xaf: {  	[dreg:$0x3] =	wrdreg s2  }
0xb0: {  	[dreg:$0x4] =	wrdreg $0xA  }
0xb1: {  	_ =	task.clear_ibuf [dreg:s7], $0x5FFFF;
	_ =	strace $0x90000046  }
0xb2: {  	s29 =	simm.s32 $0xA;
	_ =	strace $0x80000048  }
0xb3: {  	_ =	swait.ge [sflag:s29], $0x1  }
0xb4: {  	[sflag:s29] =	ssyncadd.s32 $0xFFFFFFFF  }
0xb5: {  	_ =	strace $0x90000048  }
0xb6: {  	_ =	sfence  }
0xb7: {  	s30 =	sld [smem:$0x0];
	_ =	sdelay $0x2  }
0xb8: {  	s31 =	sshll.u32 s1, $0xD;
	s1 =	sshrl.u32 s1, $0x2  }
0xb9: {  	s3 =	sand.u32 $0x4000, s31;
	s1 =	sadd.s32 s1, s30  }
0xba: {  	s0 =	sor.u32 s3, s0;
	s1 =	sshll.u32 s1, $0x11  }
0xbb: {  	s0 =	sor.u32 s1, s0  }
0xbc: {  	s0 =	sadd.s32 $0x8F2B, s0  }
0xbd: {  	[sflag:s0] =	ssyncadd.remote.s32 $0x1  }
0xbe: {  	_ =	sfence.sel $0xFFFF  }
0xbf: {  	[dreg:$0x0] =	wrdreg $0xFFFFFFFF;
	(pc) =	sbr.abs _section_cstart, $3  }
0xc0: {  	[dreg:$0x1] =	wrdreg $0xFFFFFFFF  }
0xc1: {  	_ =	task.clear_ibuf [dreg:s7], $0x2FFFF;
	_ =	strace $0x9FFFFFFF  }
0xc2: {  	(tm) =	ssettm $0x7FFFFFFF  }
0xc3: {  	_ =	shalt  }
tec
execute0_lowered:
.L_overlay_start_1:
0x0: {  	(tag) =	ssettag $0x1  }
0x1: {  	s2 =	rddreg [dreg:$0x0]  }
0x2: {  	s3 =	rddreg [dreg:$0x1]  }
0x3: {  	s0 =	rddreg [dreg:$0x2];
	s1 =	srdreg.scid;
	_ =	strace $0x80000047  }
0x4: {  	s4 =	simm.s32 $0x1;
	s9 =	simm.s32 $0x3;
	s5 =	sshll.u32 s1, $0x4  }
.Ltmp0:
0x5: {  	s1 =	stileid.u32;
	s5 =	sand.u32 $0x10, s5;
	(pc) =	sbr.rel .LBB2_1-.Ltmp0, $4  }
0x6: {  	s12 =	simm.s32 $0x0;
	s10 =	simm.s32 $0x0;
	s6 =	sor.u32 s1, s5  }
0x7: {  	[sflag:s4] =	ssyncpa.u1 $0x0;
	s5 =	simm.s32 $0x2;
	s6 =	sshll.u32 s6, $0x8  }
0x8: {  	s7 =	sadd.s32 $0x20000, s2;
	[sflag:s5] =	ssyncpa.u1 $0x0;
	s8 =	sadd.s32 $0x100, s6  }
0x9: {  	vm0 =	vmmov $0xff;
	vm1 =	vcmask $0x3F20;
	[sflag:s9] =	ssyncpa.u1 $0x0;
	s9 =	simm.s32 $0x100;
	s11 =	smov.u32 s6  }
.LBB2_9:
0xa: {  	p0 =	seq.s32 s10, $0x2  }
.Ltmp1:
0xb: {  	_ = 	snop;
	(pc) =	sbr.rel @p0 .LBB2_11-.Ltmp1, $1  }
0xc: {  	_ =	sdelay $0x3  }
.LBB2_10:
0xd: {  	s12 =	sadd.s32 $0x100, s11  }
0xe: {  	s13 =	smov.u32 s6;
	p0 =	slt.s32 s12, s8  }
0xf: {  	s13 =	smov.u32 @p0 s12  }
0x10: {  	s10 =	sadd.s32 $0x1, s10;
	s12 =	smov.u32 s11;
	s11 =	smov.u32 s13  }
.LBB2_1:
0x11: {  	p0 =	sne.s32 s10, $0x0  }
.Ltmp2:
0x12: {  	_ = 	snop;
	(pc) =	sbr.rel @!p0 .LBB2_2-.Ltmp2, $1  }
0x13: {  	_ =	sdelay $0x3  }
0x14: {  	s13 =	sand.u32 $0x1, s10  }
0x15: {  	p0 =	seq.s32 s13, $0x0  }
.Ltmp3:
0x16: {  	_ = 	snop;
	(pc) =	sbr.rel @p0 .LBB2_9-.Ltmp3, $1  }
0x17: {  	_ =	sdelay $0x3  }
0x18: {  	_ =	swait.ge [sflag:s5], $0x100  }
0x19: {  	[sflag:s5] =	ssyncset.done $0x0  }
0x1a: {  	s13 =	simm.s32 $0x0;
	[sflag:s5] =	ssyncadd.s32 $0xFFFFFF00  }
0x1b: {  	v0 =	vld.msk [tilespmem:s13+$0x100 ss:$0x1], $0xffff;
	_ =	sdelay $0x4  }
0x1c: {  	vm2 =	vgt.s32 v0, $0x0  }
0x1d: {  	v0 =	vnsel vm2, $0x0, v0  }
0x1e: {  	v0 =	vmin.u32 v0, $0x1FFF  }
0x1f: {  	v0 =	vshll.u32 v0, $0x4;
	_ =	sdelay $0x3  }
0x20: {  	s13 =	simm.s32 $0x8200  }
0x21: {  	[tilespmem:s13], [sflag:$0x1] =	stream.indirect_vreg.gather [hbm:s2], $0x80, v0, vm0, $0x38;
	[tilespmem:$0x10200] =	vst v63  }
0x22: {  	s14 =	simm.s32 $0x8600;
	s31 =	simm.s32 $0x10  }
0x23: {  	[tilespmem:s14], [sflag:$0x1] =	stream.indirect_vreg.gather [hbm:s2], $0x80, v0, vm1, $0x38;
	[tilespmem:$0x10200] =	vst v63  }
0x24: {  	s14 =	simm.s32 $0x80;
	v0 =	vld.msk [tilespmem:s31+$0x100 ss:$0x1], $0xffff  }
.LBB2_5:
0x25: {  	p0 =	sne.s32 s14, $0x3C0;
	_ =	sdelay $0x4  }
0x26: {  	vm2 =	vgt.s32 v0, $0x0  }
0x27: {  	v0 =	vnsel vm2, $0x0, v0  }
0x28: {  	v0 =	vmin.u32 v0, $0x1FFF  }
0x29: {  	v0 =	vshll.u32 v0, $0x4;
	_ =	sdelay $0x3  }
.Ltmp4:
0x2a: {  	s13 =	sadd.s32 $0x800, s13;
	(pc) =	sbr.rel @p0 .LBB2_5-.Ltmp4, $4  }
0x2b: {  	[tilespmem:s13], [sflag:$0x1] =	stream.indirect_vreg.gather [hbm:s2], $0x80, v0, vm0, $0x38;
	[tilespmem:$0x10200] =	vst v63  }
0x2c: {  	s15 =	sshra.s32 s14, $0x2;
	s16 =	sadd.s32 $0x400, s13  }
0x2d: {  	[tilespmem:s16], [sflag:$0x1] =	stream.indirect_vreg.gather [hbm:s2], $0x80, v0, vm1, $0x38;
	[tilespmem:$0x10200] =	vst v63  }
0x2e: {  	s14 =	sadd.s32 $0x40, s14;
	v0 =	vld.msk [tilespmem:s15+$0x100 ss:$0x1], $0xffff  }
0x2f: {  	_ =	sdelay $0x3  }
0x30: {  	vm2 =	vgt.s32 v0, $0x0  }
0x31: {  	v0 =	vnsel vm2, $0x0, v0  }
0x32: {  	v0 =	vmin.u32 v0, $0x1FFF  }
0x33: {  	v0 =	vshll.u32 v0, $0x4;
	_ =	sdelay $0x3  }
0x34: {  	s13 =	sadd.s32 $0x800, s13  }
0x35: {  	[tilespmem:s13], [sflag:$0x1] =	stream.indirect_vreg.gather [hbm:s2], $0x80, v0, vm0, $0x38;
	[tilespmem:$0x10200] =	vst v63  }
0x36: {  	s13 =	sadd.s32 $0x400, s13  }
0x37: {  	[tilespmem:s13], [sflag:$0x1] =	stream.indirect_vreg.gather [hbm:s2], $0x80, v0, vm1, $0x38;
	[tilespmem:$0x10200] =	vst v63  }
0x38: {  	s12 =	sshll.u32 s12, $0x4;
	s14 =	simm.s32 $0x80;
	_ =	swait.ge [sflag:s4], $0x8000  }
0x39: {  	s15 =	simm.s32 $0x8600;
	s12 =	sadd.s32 s12, s7;
	[sflag:s4] =	ssyncset.done $0x0  }
0x3a: {  	s16 =	sadd.s32 $0x0, s12;
	s13 =	simm.s32 $0x8200;
	[sflag:s4] =	ssyncadd.s32 $0xFFFF8000  }
.LBB2_7:
0x3b: {  	[hbm:s16] =	stream.linear.scatter [tilespmem:s13], [sflag:$0x3], $0x400, $0x38;
	[tilespmem:$0x10200] =	vst v63  }
0x3c: {  	s16 =	smov.u32 s14;
	s13 =	smov.u32 s15;
	p0 =	sne.s32 s14, $0xF80  }
.Ltmp5:
0x3d: {  	s14 =	sadd.s32 $0x80, s14;
	(pc) =	sbr.rel @p0 .LBB2_7-.Ltmp5, $2  }
0x3e: {  	_ =	sdelay $0x2  }
0x3f: {  	s15 =	sadd.s32 $0x400, s15;
	s16 =	sadd.s32 s16, s12  }
.Ltmp6:
0x40: {  	(pc) =	sbr.rel .LBB2_9-.Ltmp6, $2  }
0x41: {  	_ =	sdelay $0x2  }
0x42: {  	[hbm:s16] =	stream.linear.scatter [tilespmem:s13], [sflag:$0x3], $0x400, $0x38;
	[tilespmem:$0x10200] =	vst v63  }
.LBB2_2:
.Ltmp7:
0x43: {  	(pc) =	sbr.rel .LBB2_10-.Ltmp7, $4  }
0x44: {  	_ = 	snop  }
0x45: {  	s12 =	sshrl.u32 s11, $0x3  }
0x46: {  	s13 =	sand.u32 $0x7, s11;
	s12 =	sadd.s32 s3, s12  }
0x47: {  	[tilespmem:s9], [sflag:$0x2] =	stream.linear.gather [hbm4b:s12+s13], $0x100, $0x38;
	[tilespmem:$0x10200] =	vst v63  }
.LBB2_11:
0x48: {  	s2 =	simm.s32 $0x3  }
0x49: {  	_ =	swait.ge [sflag:s2], $0x8000  }
0x4a: {  	[sflag:s2] =	ssyncset.done $0x0  }
0x4b: {  	[sflag:s2] =	ssyncadd.s32 $0xFFFF8000  }
0x4c: {  	_ =	sfence.sel $0x180000  }
0x4d: {  	s3 =	simm.s32 $0x2;
	[bflag:$0x0] =	sbarrier.arrive $0xFFFF  }
0x4e: {  	[sflag:s3] =	ssyncpa.u1 $0x1  }
0x4f: {  	s31 =	simm.s32 $0x1;
	[sflag:s2] =	ssyncpa.u1 $0x1  }
0x50: {  	[sflag:s31] =	ssyncpa.u1 $0x1  }
0x51: {  	p0 =	sne.s32 s1, $0x0;
	_ =	strace $0x90000047  }
0x52: {  	s0 =	sadd.s32 @!p0 $0x100000, s0;
	[bflag:$0x2] =	sbarrier.arrive $0xFFFF  }
0x53: {  	[sflag:s0] =	ssyncadd.tile.s32 @!p0 $0x1;
	_ =	shalt  }
.Lfunc_end2:
_tile_overlayer_lowered:
.L_overlay_start_2:
0x54: {  	(tag) =	ssettag $0x2  }
0x55: {  	s0 =	rddreg [dreg:$0x0];
	s2 =	stileid.u32  }
0x56: {  	s1 =	rddreg [dreg:$0x1];
	p0 =	sne.s32 s2, $0x0  }
0x57: {  	s3 =	rddreg [dreg:$0x2];
	[bflag:$0x3] =	sbarrier.arrive $0xFFFF;
	s2 =	simm.s32 @!p0 $0x1C01  }
0x58: {  	[timem:s3], [sflag:s2] =	dma.local @!p0 [hbm:s0], s1  }
0x59: {  	s0 =	simm.s32 @!p0 $0x1  }
0x5a: {  	_ =	swait.ge @!p0 [sflag:s0], s1  }
0x5b: {  	s1 =	ssub.s32 @!p0 $0x0, s1;
	[sflag:s0] =	ssyncset.done @!p0 $0x0  }
0x5c: {  	[sflag:s0] =	ssyncadd.s32 @!p0 s1  }
0x5d: {  	[bflag:$0x3] =	sbarrier.arrive $0xFFFF  }
0x5e: {  	_ =	shalt  }

// kernel: gather_offload_async_start.2
scs
__scs_entry_jumppad:
0x0: {  	(pc) =	sbr.rel $0x88, $3  }
0x1: {  	(tag) =	ssettag $0x0;
	lr =	simm.s32 $0x1  }
0x2: {  	[smem:$0x3F9E] =	sst lr;
	_ =	strace $0xD0000000  }
0x3: {  	_ = 	snop  }
0x4: {  	_ = 	snop  }
0x5: {  	_ = 	snop  }
0x6: {  	_ = 	snop  }
0x7: {  	_ = 	snop  }
__scs_overlays_trampoline_lowered:
0x8: {  	[smem:$0x3FAD] =	sst s0  }
0x9: {  	[smem:$0x3FAE] =	sst s1  }
0xa: {  	[smem:$0x3FAF] =	sst s2  }
0xb: {  	[smem:$0x3FB0] =	sst s3  }
0xc: {  	[smem:$0x3FB1] =	sst s4  }
0xd: {  	[smem:$0x3FB2] =	sst s5  }
0xe: {  	[smem:$0x3FB3] =	sst s6  }
0xf: {  	[smem:$0x3FB4] =	sst s7  }
0x10: {  	[smem:$0x3FB5] =	sst s8  }
0x11: {  	[smem:$0x3FB6] =	sst s9;
	s0 =	simm.s32 @!p0 $0x0  }
0x12: {  	s1 =	sld [smem:$0x3F9C];
	s0 =	simm.s32 @p0 $0x1  }
0x13: {  	[smem:$0x3FB7] =	sst s0;
	s0 =	simm.s32 @!p1 $0x0  }
0x14: {  	s2 =	sld [smem:$0x3F9B];
	s0 =	simm.s32 @p1 $0x1  }
0x15: {  	[smem:$0x3FB8] =	sst s0;
	s0 =	simm.s32 @!p2 $0x0  }
0x16: {  	s3 =	sld [smem:$0x3FDB];
	s0 =	simm.s32 @p2 $0x1  }
0x17: {  	s4 =	simm.s32 $0x1BF5;
	[smem:$0x3FBA] =	sst s0  }
0x18: {  	s0 =	sld [smem:$0x3F9D];
	_ =	swait.ge [sflag:s4], $0x0  }
0x19: {  	s7 =	sld [smem:$0x3F9E]  }
0x1a: {  	s8 =	sadd.s32 $0xFFFFE003, lr  }
0x1b: {  	s9 =	sadd.s32 $0xFFFFFEF7, lr;
	s5 =	simm.s32 $0xFFFFFFFF;
	p2 =	slt.u32 s8, $0xFFFFF086  }
0x1c: {  	p1 =	slt.u32 s9, $0xF7A;
	s5 =	simm.s32 @!p2 $0x0  }
0x1d: {  	s5 =	simm.s32 @p1 $0x1;
	p0 =	seq.s32 s7, s2  }
0x1e: {  	s7 =	smul.u32 @!p0 $0xF7A, s2;
	p2 =	seq.s32 @!p0 s5, $0x0  }
0x1f: {  	s9 =	smul.u32 $0xF7A, s1;
	s8 =	simm.s32 @!p0 $0x1BF5;
	p2 =	por !p2, p0  }
0x20: {  	[sflag:s8] =	ssyncset.s32 @!p0 $0xFFFFF086;
	s6 =	sadd.s32 @!p0 s3, s7;
	s7 =	simm.s32 @!p0 $0x108  }
0x21: {  	s3 =	sadd.s32 s3, s9;
	s6 =	sadd.s32 @!p0 $0x88, s6;
	s7 =	simm.s32 @p2 $0x1082  }
0x22: {  	[simem:s7], [sflag:s8] =	dma.local @!p0 [hbm:s6], $0xF7A  }
0x23: {  	s9 =	sor.u32 $0xD0000000, s2;
	s6 =	simm.s32 $0x108;
	_ =	swait.ge @!p0 [sflag:s8], $0x0  }
0x24: {  	s3 =	sadd.s32 $0x88, s3;
	s6 =	simm.s32 @!p1 $0x1082;
	[sflag:s4] =	ssyncset.s32 $0xFFFFF086  }
0x25: {  	[simem:s6], [sflag:s4] =	dma.local [hbm:s3], $0xF7A  }
0x26: {  	[smem:$0x3F9E] =	sst s1;
	(tag) =	ssettag s2;
	_ =	strace s9  }
0x27: {  	s1 =	sld [smem:$0x3FAE]  }
0x28: {  	s2 =	sld [smem:$0x3FAF]  }
0x29: {  	s4 =	sld [smem:$0x3FB1]  }
0x2a: {  	p0 =	seq.s32 s5, $0x0;
	s5 =	sld [smem:$0x3FB2]  }
0x2b: {  	s6 =	sld [smem:$0x3FB3]  }
0x2c: {  	s7 =	sld [smem:$0x3FB4]  }
0x2d: {  	s3 =	simm.s32 $0x108;
	s8 =	sld [smem:$0x3FB5]  }
0x2e: {  	s3 =	simm.s32 @!p0 $0x1082;
	s9 =	sld [smem:$0x3FB6]  }
0x2f: {  	lr =	sadd.s32 s0, s3;
	s0 =	sld [smem:$0x3FAD]  }
0x30: {  	s3 =	sld [smem:$0x3FB0]  }
0x31: {  	[smem:$0x3FB9] =	sst s10  }
0x32: {  	s10 =	sld [smem:$0x3FB7];
	_ =	sdelay $0x3  }
0x33: {  	p0 =	seq.s32 s10, $0x1;
	s10 =	sld [smem:$0x3FB9];
	_ =	sdelay $0x3  }
0x34: {  	[smem:$0x3FB9] =	sst s10  }
0x35: {  	s10 =	sld [smem:$0x3FB8];
	_ =	sdelay $0x3  }
0x36: {  	p1 =	seq.s32 s10, $0x1;
	s10 =	sld [smem:$0x3FB9];
	_ =	sdelay $0x3  }
0x37: {  	[smem:$0x3FB9] =	sst s10  }
0x38: {  	s10 =	sld [smem:$0x3FBA]  }
0x39: {  	_ = 	snop;
	(pc) =	sbr.ind lr, $3  }
0x3a: {  	_ = 	snop  }
0x3b: {  	_ = 	snop  }
0x3c: {  	p2 =	seq.s32 s10, $0x1;
	s10 =	sld [smem:$0x3FB9]  }
0x3d: {  	_ =	shalt  }
0x3e: {  	_ =	shalt  }
0x3f: {  	_ =	shalt  }
0x40: {  	_ =	shalt  }
0x41: {  	_ =	shalt  }
0x42: {  	_ =	shalt  }
0x43: {  	_ =	shalt  }
0x44: {  	_ =	shalt  }
0x45: {  	_ =	shalt  }
0x46: {  	_ =	shalt  }
0x47: {  	_ =	shalt  }
0x48: {  	_ =	shalt  }
0x49: {  	_ =	shalt  }
0x4a: {  	_ =	shalt  }
0x4b: {  	_ =	shalt  }
0x4c: {  	_ =	shalt  }
0x4d: {  	_ =	shalt  }
0x4e: {  	_ =	shalt  }
0x4f: {  	_ =	shalt  }
0x50: {  	_ =	shalt  }
0x51: {  	_ =	shalt  }
0x52: {  	_ =	shalt  }
0x53: {  	_ =	shalt  }
0x54: {  	_ =	shalt  }
0x55: {  	_ =	shalt  }
0x56: {  	_ =	shalt  }
0x57: {  	_ =	shalt  }
0x58: {  	_ =	shalt  }
0x59: {  	_ =	shalt  }
0x5a: {  	_ =	shalt  }
0x5b: {  	_ =	shalt  }
0x5c: {  	_ =	shalt  }
0x5d: {  	_ =	shalt  }
0x5e: {  	_ =	shalt  }
0x5f: {  	_ =	shalt  }
0x60: {  	_ =	shalt  }
0x61: {  	_ =	shalt  }
0x62: {  	_ =	shalt  }
0x63: {  	_ =	shalt  }
0x64: {  	_ =	shalt  }
0x65: {  	_ =	shalt  }
0x66: {  	_ =	shalt  }
0x67: {  	_ =	shalt  }
0x68: {  	_ =	shalt  }
0x69: {  	_ =	shalt  }
0x6a: {  	_ =	shalt  }
0x6b: {  	_ =	shalt  }
0x6c: {  	_ =	shalt  }
0x6d: {  	_ =	shalt  }
0x6e: {  	_ =	shalt  }
0x6f: {  	_ =	shalt  }
0x70: {  	_ =	shalt  }
0x71: {  	_ =	shalt  }
0x72: {  	_ =	shalt  }
0x73: {  	_ =	shalt  }
0x74: {  	_ =	shalt  }
0x75: {  	_ =	shalt  }
0x76: {  	_ =	shalt  }
0x77: {  	_ =	shalt  }
0x78: {  	_ =	shalt  }
0x79: {  	_ =	shalt  }
0x7a: {  	_ =	shalt  }
0x7b: {  	_ =	shalt  }
0x7c: {  	_ =	shalt  }
0x7d: {  	_ =	shalt  }
0x7e: {  	_ =	shalt  }
0x7f: {  	_ =	shalt  }
0x80: {  	_ =	shalt  }
0x81: {  	_ =	shalt  }
0x82: {  	_ =	shalt  }
0x83: {  	_ =	shalt  }
0x84: {  	_ =	shalt  }
0x85: {  	_ =	shalt  }
0x86: {  	_ =	shalt  }
0x87: {  	_ =	shalt  }
.Lfunc_end0:
.L_simem_size_0:
called_computation.2_lowered:
.L_overlay_start_0:
0x88: {  	s2 =	sld [smem:$0x3FD9]  }
0x89: {  	s3 =	sld [smem:$0x3FFE];
	_ =	sdelay $0x1  }
0x8a: {  	s1 =	srdreg.scid  }
0x8b: {  	s0 =	sand.u32 $0x1, s1  }
0x8c: {  	s17 =	sshll.u32 s0, $0xA;
	s2 =	sadd.s32 s3, s2  }
0x8d: {  	s2 =	sadd.s32 s2, s17  }
0x8e: {  	[smem:$0x3FC5] =	sst s2  }
0x8f: {  	_ = 	snop  }
0x90: {  	(tm) =	ssettm $0x1  }
0x91: {  	s18 =	sld [smem:$0x3FFB];
	_ =	sdelay $0x3  }
0x92: {  	_ =	strace s18  }
0x93: {  	s2 =	sld [smem:$0x3FFC];
	_ =	sdelay $0x3  }
0x94: {  	_ =	strace s2  }
0x95: {  	s2 =	sld [smem:$0x3FFD];
	_ =	sdelay $0x3  }
0x96: {  	_ =	strace s2  }
0x97: {  	_ =	strace $0x8FFFFFFF  }
0x98: {  	s19 =	sld [smem:$0x3FDB];
	_ =	sdelay $0x1  }
0x99: {  	s20 =	simm.s32 $_scs_section_size  }
0x9a: {  	s4 =	simm.s32 $_size__tile_overlayer_lowered;
	s5 =	simm.s32 $_tile_overlayer_lowered  }
0x9b: {  	s6 =	simm.s32 $0x1BFF;
	s21 =	sshll.u32 s5, $0x1;
	s3 =	sadd.s32 s20, s19  }
0x9c: {  	s22 =	simm.s32 $0x0;
	s4 =	sshll.u32 s4, $0x1;
	s5 =	sadd.s32 s21, s3  }
0x9d: {  	[timem:s22], [sflag:s6] =	dma.local [hbm:s5], s4  }
0x9e: {  	_ =	swait.ge [sflag:s6], s4  }
0x9f: {  	s4 =	ssub.s32 $0x0, s4;
	[sflag:s6] =	ssyncset.done $0x0  }
0xa0: {  	[sflag:s6] =	ssyncadd.s32 s4;
	_ =	sdelay $0x1  }
0xa1: {  	s23 =	simm.s32 $0x1B8B  }
0xa2: {  	_ =	swait.ge [sflag:s23], $0x1  }
0xa3: {  	[sflag:s23] =	ssyncset.done $0x0  }
0xa4: {  	[sflag:s23] =	ssyncadd.s32 $0xFFFFFFFF  }
0xa5: {  	s4 =	sld [smem:$0x0]  }
0xa6: {  	s5 =	sand.u32 $0xFFFFFFFE, s1  }
0xa7: {  	p0 =	sne.s32 s1, s5  }
0xa8: {  	s5 =	sshll.u32 @p0 s5, $0xE  }
0xa9: {  	s5 =	sadd.s32 @p0 $0x11B8D, s5;
	s6 =	sshll.u32 @p0 s4, $0x11  }
0xaa: {  	s5 =	sor.u32 @p0 s6, s5  }
0xab: {  	[sflag:s5] =	ssyncadd.remote.s32 @p0 $0x1;
	_ =	sdelay $0x1  }
0xac: {  	s5 =	simm.s32 @p0 $0x1B8D  }
0xad: {  	_ =	swait.eq @p0 [sflag:s5], $0x1  }
0xae: {  	[sflag:s5] =	ssyncadd.s32 @p0 $0xFFFFFFFF  }
0xaf: {  	s6 =	sshll.u32 @!p0 s1, $0xE  }
0xb0: {  	s6 =	sor.u32 @!p0 $0x4000, s6;
	s5 =	simm.s32 @!p0 $0x1B8D  }
0xb1: {  	s4 =	sshll.u32 @!p0 s4, $0x11;
	s6 =	sadd.s32 @!p0 $0x11B8D, s6;
	_ =	swait.eq @!p0 [sflag:s5], $0x1  }
0xb2: {  	s4 =	sor.u32 @!p0 s4, s6;
	[sflag:s5] =	ssyncadd.s32 @!p0 $0xFFFFFFFF  }
0xb3: {  	s25 =	simm.s32 $0x1B8E;
	s24 =	sld [smem:$0x3FFE];
	[sflag:s4] =	ssyncadd.remote.s32 @!p0 $0x1  }
0xb4: {  	s26 =	simm.s32 $execute0_lowered;
	[smem:$0x3FD2] =	sst s25  }
0xb5: {  	s5 =	sshll.u32 s26, $0x1;
	_ =	strace $0x80000049;
	[dreg:$0x1] =	wrdreg $0xFFFFFFFF  }
0xb6: {  	s28 =	simm.s32 $_size_execute0_lowered;
	s3 =	sadd.s32 s3, s5;
	[dreg:$0x0] =	wrdreg $0x0  }
0xb7: {  	s5 =	sshll.u32 s28, $0x1;
	[dreg:$0x2] =	wrdreg s3  }
0xb8: {  	[dreg:$0x3] =	wrdreg s5  }
0xb9: {  	[dreg:$0x4] =	wrdreg $0xC0  }
0xba: {  	_ =	task [dreg:s22], $0x5FFFF  }
0xbb: {  	[dreg:$0x1] =	wrdreg $0xFFFFFFFF  }
0xbc: {  	[dreg:$0x0] =	wrdreg $0x60  }
0xbd: {  	[dreg:$0x2] =	wrdreg s24  }
0xbe: {  	[dreg:$0x3] =	wrdreg $0xB  }
0xbf: {  	_ =	task.clear_ibuf [dreg:s22], $0x4FFFF;
	_ =	strace $0x90000049  }
0xc0: {  	s29 =	simm.s32 $0xB;
	_ =	strace $0x8000004B  }
0xc1: {  	_ =	swait.ge [sflag:s29], $0x1  }
0xc2: {  	[sflag:s29] =	ssyncadd.s32 $0xFFFFFFFF  }
0xc3: {  	_ =	strace $0x9000004B  }
0xc4: {  	_ =	sfence  }
0xc5: {  	s30 =	sld [smem:$0x0];
	_ =	sdelay $0x2  }
0xc6: {  	s31 =	sshll.u32 s1, $0xD;
	s1 =	sshrl.u32 s1, $0x2  }
0xc7: {  	s4 =	sand.u32 $0x4000, s31;
	s1 =	sadd.s32 s1, s30  }
0xc8: {  	s0 =	sor.u32 s4, s0;
	s1 =	sshll.u32 s1, $0x11  }
0xc9: {  	s0 =	sor.u32 s1, s0  }
0xca: {  	s0 =	sadd.s32 $0x8F2B, s0  }
0xcb: {  	[sflag:s0] =	ssyncadd.remote.s32 $0x1  }
0xcc: {  	_ =	sfence.sel $0xFFFF  }
0xcd: {  	[dreg:$0x0] =	wrdreg $0xFFFFFFFF;
	(pc) =	sbr.abs _section_cstart, $3  }
0xce: {  	[dreg:$0x1] =	wrdreg $0xFFFFFFFF  }
0xcf: {  	_ =	task.clear_ibuf [dreg:s22], $0x2FFFF;
	_ =	strace $0x9FFFFFFF  }
0xd0: {  	(tm) =	ssettm $0x7FFFFFFF  }
0xd1: {  	_ =	shalt  }
tec
execute0_lowered:
.L_overlay_start_1:
0x0: {  	(tag) =	ssettag $0x1  }
0x1: {  	s7 =	rddreg [dreg:$0x0]  }
0x2: {  	s0 =	rddreg [dreg:$0x1];
	_ =	strace $0x8000004A  }
0x3: {  	s1 =	srdreg.scid;
	s4 =	simm.s32 $0x1;
	s9 =	simm.s32 $0x3  }
0x4: {  	s12 =	simm.s32 $0x0;
	s10 =	simm.s32 $0x0;
	s5 =	sshll.u32 s1, $0x4  }
.Ltmp0:
0x5: {  	s1 =	stileid.u32;
	s5 =	sand.u32 $0x10, s5;
	(pc) =	sbr.rel .LBB2_1-.Ltmp0, $4  }
0x6: {  	s2 =	sadd.s32 $0x40400, s7;
	s3 =	sadd.s32 $0x40000, s7;
	s6 =	sor.u32 s1, s5  }
0x7: {  	[sflag:s4] =	ssyncpa.u1 $0x0;
	s5 =	simm.s32 $0x2;
	s6 =	sshll.u32 s6, $0x8  }
0x8: {  	s7 =	sadd.s32 $0x60400, s7;
	[sflag:s5] =	ssyncpa.u1 $0x0;
	s8 =	sadd.s32 $0x100, s6  }
0x9: {  	vm0 =	vmmov $0xff;
	vm1 =	vcmask $0x3F20;
	[sflag:s9] =	ssyncpa.u1 $0x0;
	s9 =	simm.s32 $0x100;
	s11 =	smov.u32 s6  }
.LBB2_9:
0xa: {  	p0 =	seq.s32 s10, $0x2  }
.Ltmp1:
0xb: {  	_ = 	snop;
	(pc) =	sbr.rel @p0 .LBB2_11-.Ltmp1, $1  }
0xc: {  	_ =	sdelay $0x3  }
.LBB2_10:
0xd: {  	s12 =	sadd.s32 $0x100, s11  }
0xe: {  	s13 =	smov.u32 s6;
	p0 =	slt.s32 s12, s8  }
0xf: {  	s13 =	smov.u32 @p0 s12  }
0x10: {  	s10 =	sadd.s32 $0x1, s10;
	s12 =	smov.u32 s11;
	s11 =	smov.u32 s13  }
.LBB2_1:
0x11: {  	p0 =	sne.s32 s10, $0x0  }
.Ltmp2:
0x12: {  	_ = 	snop;
	(pc) =	sbr.rel @!p0 .LBB2_2-.Ltmp2, $1  }
0x13: {  	_ =	sdelay $0x3  }
0x14: {  	s13 =	sand.u32 $0x1, s10  }
0x15: {  	p0 =	seq.s32 s13, $0x0  }
.Ltmp3:
0x16: {  	_ = 	snop;
	(pc) =	sbr.rel @p0 .LBB2_9-.Ltmp3, $1  }
0x17: {  	_ =	sdelay $0x3  }
0x18: {  	_ =	swait.ge [sflag:s5], $0x100  }
0x19: {  	[sflag:s5] =	ssyncset.done $0x0  }
0x1a: {  	s13 =	simm.s32 $0x0;
	[sflag:s5] =	ssyncadd.s32 $0xFFFFFF00  }
0x1b: {  	v0 =	vld.msk [tilespmem:s13+$0x100 ss:$0x1], $0xffff;
	_ =	sdelay $0x4  }
0x1c: {  	vm2 =	vgt.s32 v0, $0x0  }
0x1d: {  	v0 =	vnsel vm2, $0x0, v0  }
0x1e: {  	v0 =	vmin.u32 v0, $0x1FFF  }
0x1f: {  	v0 =	vshll.u32 v0, $0x4;
	_ =	sdelay $0x3  }
0x20: {  	s13 =	simm.s32 $0x8200  }
0x21: {  	[tilespmem:s13], [sflag:$0x1] =	stream.indirect_vreg.gather [hbm:s2], $0x80, v0, vm0, $0x38;
	[tilespmem:$0x10200] =	vst v63  }
0x22: {  	s14 =	simm.s32 $0x8600;
	s31 =	simm.s32 $0x10  }
0x23: {  	[tilespmem:s14], [sflag:$0x1] =	stream.indirect_vreg.gather [hbm:s2], $0x80, v0, vm1, $0x38;
	[tilespmem:$0x10200] =	vst v63  }
0x24: {  	s14 =	simm.s32 $0x80;
	v0 =	vld.msk [tilespmem:s31+$0x100 ss:$0x1], $0xffff  }
.LBB2_5:
0x25: {  	p0 =	sne.s32 s14, $0x3C0;
	_ =	sdelay $0x4  }
0x26: {  	vm2 =	vgt.s32 v0, $0x0  }
0x27: {  	v0 =	vnsel vm2, $0x0, v0  }
0x28: {  	v0 =	vmin.u32 v0, $0x1FFF  }
0x29: {  	v0 =	vshll.u32 v0, $0x4;
	_ =	sdelay $0x3  }
.Ltmp4:
0x2a: {  	s13 =	sadd.s32 $0x800, s13;
	(pc) =	sbr.rel @p0 .LBB2_5-.Ltmp4, $4  }
0x2b: {  	[tilespmem:s13], [sflag:$0x1] =	stream.indirect_vreg.gather [hbm:s2], $0x80, v0, vm0, $0x38;
	[tilespmem:$0x10200] =	vst v63  }
0x2c: {  	s15 =	sshra.s32 s14, $0x2;
	s16 =	sadd.s32 $0x400, s13  }
0x2d: {  	[tilespmem:s16], [sflag:$0x1] =	stream.indirect_vreg.gather [hbm:s2], $0x80, v0, vm1, $0x38;
	[tilespmem:$0x10200] =	vst v63  }
0x2e: {  	s14 =	sadd.s32 $0x40, s14;
	v0 =	vld.msk [tilespmem:s15+$0x100 ss:$0x1], $0xffff  }
0x2f: {  	_ =	sdelay $0x3  }
0x30: {  	vm2 =	vgt.s32 v0, $0x0  }
0x31: {  	v0 =	vnsel vm2, $0x0, v0  }
0x32: {  	v0 =	vmin.u32 v0, $0x1FFF  }
0x33: {  	v0 =	vshll.u32 v0, $0x4;
	_ =	sdelay $0x3  }
0x34: {  	s13 =	sadd.s32 $0x800, s13  }
0x35: {  	[tilespmem:s13], [sflag:$0x1] =	stream.indirect_vreg.gather [hbm:s2], $0x80, v0, vm0, $0x38;
	[tilespmem:$0x10200] =	vst v63  }
0x36: {  	s13 =	sadd.s32 $0x400, s13  }
0x37: {  	[tilespmem:s13], [sflag:$0x1] =	stream.indirect_vreg.gather [hbm:s2], $0x80, v0, vm1, $0x38;
	[tilespmem:$0x10200] =	vst v63  }
0x38: {  	s12 =	sshll.u32 s12, $0x4;
	s14 =	simm.s32 $0x80;
	_ =	swait.ge [sflag:s4], $0x8000  }
0x39: {  	s15 =	simm.s32 $0x8600;
	s12 =	sadd.s32 s12, s7;
	[sflag:s4] =	ssyncset.done $0x0  }
0x3a: {  	s16 =	sadd.s32 $0x0, s12;
	s13 =	simm.s32 $0x8200;
	[sflag:s4] =	ssyncadd.s32 $0xFFFF8000  }
.LBB2_7:
0x3b: {  	[hbm:s16] =	stream.linear.scatter [tilespmem:s13], [sflag:$0x3], $0x400, $0x38;
	[tilespmem:$0x10200] =	vst v63  }
0x3c: {  	s16 =	smov.u32 s14;
	s13 =	smov.u32 s15;
	p0 =	sne.s32 s14, $0xF80  }
.Ltmp5:
0x3d: {  	s14 =	sadd.s32 $0x80, s14;
	(pc) =	sbr.rel @p0 .LBB2_7-.Ltmp5, $2  }
0x3e: {  	_ =	sdelay $0x2  }
0x3f: {  	s15 =	sadd.s32 $0x400, s15;
	s16 =	sadd.s32 s16, s12  }
.Ltmp6:
0x40: {  	(pc) =	sbr.rel .LBB2_9-.Ltmp6, $2  }
0x41: {  	_ =	sdelay $0x2  }
0x42: {  	[hbm:s16] =	stream.linear.scatter [tilespmem:s13], [sflag:$0x3], $0x400, $0x38;
	[tilespmem:$0x10200] =	vst v63  }
.LBB2_2:
.Ltmp7:
0x43: {  	(pc) =	sbr.rel .LBB2_10-.Ltmp7, $4  }
0x44: {  	_ = 	snop  }
0x45: {  	s12 =	sshrl.u32 s11, $0x3  }
0x46: {  	s13 =	sand.u32 $0x7, s11;
	s12 =	sadd.s32 s3, s12  }
0x47: {  	[tilespmem:s9], [sflag:$0x2] =	stream.linear.gather [hbm4b:s12+s13], $0x100, $0x38;
	[tilespmem:$0x10200] =	vst v63  }
.LBB2_11:
0x48: {  	s2 =	simm.s32 $0x3  }
0x49: {  	_ =	swait.ge [sflag:s2], $0x8000  }
0x4a: {  	[sflag:s2] =	ssyncset.done $0x0  }
0x4b: {  	[sflag:s2] =	ssyncadd.s32 $0xFFFF8000  }
0x4c: {  	_ =	sfence.sel $0x180000  }
0x4d: {  	s3 =	simm.s32 $0x2;
	[bflag:$0x0] =	sbarrier.arrive $0xFFFF  }
0x4e: {  	[sflag:s3] =	ssyncpa.u1 $0x1  }
0x4f: {  	s31 =	simm.s32 $0x1;
	[sflag:s2] =	ssyncpa.u1 $0x1  }
0x50: {  	[sflag:s31] =	ssyncpa.u1 $0x1  }
0x51: {  	p0 =	sne.s32 s1, $0x0;
	_ =	strace $0x9000004A  }
0x52: {  	s0 =	sadd.s32 @!p0 $0x100000, s0;
	[bflag:$0x2] =	sbarrier.arrive $0xFFFF  }
0x53: {  	[sflag:s0] =	ssyncadd.tile.s32 @!p0 $0x1;
	_ =	shalt  }
.Lfunc_end2:
_tile_overlayer_lowered:
.L_overlay_start_2:
0x54: {  	(tag) =	ssettag $0x2  }
0x55: {  	s0 =	rddreg [dreg:$0x0];
	s2 =	stileid.u32  }
0x56: {  	s1 =	rddreg [dreg:$0x1];
	p0 =	sne.s32 s2, $0x0  }
0x57: {  	s3 =	rddreg [dreg:$0x2];
	[bflag:$0x3] =	sbarrier.arrive $0xFFFF;
	s2 =	simm.s32 @!p0 $0x1C01  }
0x58: {  	[timem:s3], [sflag:s2] =	dma.local @!p0 [hbm:s0], s1  }
0x59: {  	s0 =	simm.s32 @!p0 $0x1  }
0x5a: {  	_ =	swait.ge @!p0 [sflag:s0], s1  }
0x5b: {  	s1 =	ssub.s32 @!p0 $0x0, s1;
	[sflag:s0] =	ssyncset.done @!p0 $0x0  }
0x5c: {  	[sflag:s0] =	ssyncadd.s32 @!p0 s1  }
0x5d: {  	[bflag:$0x3] =	sbarrier.arrive $0xFFFF  }
0x5e: {  	_ =	shalt  }

// kernel: gather_offload_async_start.3
scs
__scs_entry_jumppad:
0x0: {  	(pc) =	sbr.rel $0x88, $3  }
0x1: {  	(tag) =	ssettag $0x0;
	lr =	simm.s32 $0x1  }
0x2: {  	[smem:$0x3F9E] =	sst lr;
	_ =	strace $0xD0000000  }
0x3: {  	_ = 	snop  }
0x4: {  	_ = 	snop  }
0x5: {  	_ = 	snop  }
0x6: {  	_ = 	snop  }
0x7: {  	_ = 	snop  }
__scs_overlays_trampoline_lowered:
0x8: {  	[smem:$0x3FAD] =	sst s0  }
0x9: {  	[smem:$0x3FAE] =	sst s1  }
0xa: {  	[smem:$0x3FAF] =	sst s2  }
0xb: {  	[smem:$0x3FB0] =	sst s3  }
0xc: {  	[smem:$0x3FB1] =	sst s4  }
0xd: {  	[smem:$0x3FB2] =	sst s5  }
0xe: {  	[smem:$0x3FB3] =	sst s6  }
0xf: {  	[smem:$0x3FB4] =	sst s7  }
0x10: {  	[smem:$0x3FB5] =	sst s8  }
0x11: {  	[smem:$0x3FB6] =	sst s9;
	s0 =	simm.s32 @!p0 $0x0  }
0x12: {  	s1 =	sld [smem:$0x3F9C];
	s0 =	simm.s32 @p0 $0x1  }
0x13: {  	[smem:$0x3FB7] =	sst s0;
	s0 =	simm.s32 @!p1 $0x0  }
0x14: {  	s2 =	sld [smem:$0x3F9B];
	s0 =	simm.s32 @p1 $0x1  }
0x15: {  	[smem:$0x3FB8] =	sst s0;
	s0 =	simm.s32 @!p2 $0x0  }
0x16: {  	s3 =	sld [smem:$0x3FDB];
	s0 =	simm.s32 @p2 $0x1  }
0x17: {  	s4 =	simm.s32 $0x1BF5;
	[smem:$0x3FBA] =	sst s0  }
0x18: {  	s0 =	sld [smem:$0x3F9D];
	_ =	swait.ge [sflag:s4], $0x0  }
0x19: {  	s7 =	sld [smem:$0x3F9E]  }
0x1a: {  	s8 =	sadd.s32 $0xFFFFE003, lr  }
0x1b: {  	s9 =	sadd.s32 $0xFFFFFEF7, lr;
	s5 =	simm.s32 $0xFFFFFFFF;
	p2 =	slt.u32 s8, $0xFFFFF086  }
0x1c: {  	p1 =	slt.u32 s9, $0xF7A;
	s5 =	simm.s32 @!p2 $0x0  }
0x1d: {  	s5 =	simm.s32 @p1 $0x1;
	p0 =	seq.s32 s7, s2  }
0x1e: {  	s7 =	smul.u32 @!p0 $0xF7A, s2;
	p2 =	seq.s32 @!p0 s5, $0x0  }
0x1f: {  	s9 =	smul.u32 $0xF7A, s1;
	s8 =	simm.s32 @!p0 $0x1BF5;
	p2 =	por !p2, p0  }
0x20: {  	[sflag:s8] =	ssyncset.s32 @!p0 $0xFFFFF086;
	s6 =	sadd.s32 @!p0 s3, s7;
	s7 =	simm.s32 @!p0 $0x108  }
0x21: {  	s3 =	sadd.s32 s3, s9;
	s6 =	sadd.s32 @!p0 $0x88, s6;
	s7 =	simm.s32 @p2 $0x1082  }
0x22: {  	[simem:s7], [sflag:s8] =	dma.local @!p0 [hbm:s6], $0xF7A  }
0x23: {  	s9 =	sor.u32 $0xD0000000, s2;
	s6 =	simm.s32 $0x108;
	_ =	swait.ge @!p0 [sflag:s8], $0x0  }
0x24: {  	s3 =	sadd.s32 $0x88, s3;
	s6 =	simm.s32 @!p1 $0x1082;
	[sflag:s4] =	ssyncset.s32 $0xFFFFF086  }
0x25: {  	[simem:s6], [sflag:s4] =	dma.local [hbm:s3], $0xF7A  }
0x26: {  	[smem:$0x3F9E] =	sst s1;
	(tag) =	ssettag s2;
	_ =	strace s9  }
0x27: {  	s1 =	sld [smem:$0x3FAE]  }
0x28: {  	s2 =	sld [smem:$0x3FAF]  }
0x29: {  	s4 =	sld [smem:$0x3FB1]  }
0x2a: {  	p0 =	seq.s32 s5, $0x0;
	s5 =	sld [smem:$0x3FB2]  }
0x2b: {  	s6 =	sld [smem:$0x3FB3]  }
0x2c: {  	s7 =	sld [smem:$0x3FB4]  }
0x2d: {  	s3 =	simm.s32 $0x108;
	s8 =	sld [smem:$0x3FB5]  }
0x2e: {  	s3 =	simm.s32 @!p0 $0x1082;
	s9 =	sld [smem:$0x3FB6]  }
0x2f: {  	lr =	sadd.s32 s0, s3;
	s0 =	sld [smem:$0x3FAD]  }
0x30: {  	s3 =	sld [smem:$0x3FB0]  }
0x31: {  	[smem:$0x3FB9] =	sst s10  }
0x32: {  	s10 =	sld [smem:$0x3FB7];
	_ =	sdelay $0x3  }
0x33: {  	p0 =	seq.s32 s10, $0x1;
	s10 =	sld [smem:$0x3FB9];
	_ =	sdelay $0x3  }
0x34: {  	[smem:$0x3FB9] =	sst s10  }
0x35: {  	s10 =	sld [smem:$0x3FB8];
	_ =	sdelay $0x3  }
0x36: {  	p1 =	seq.s32 s10, $0x1;
	s10 =	sld [smem:$0x3FB9];
	_ =	sdelay $0x3  }
0x37: {  	[smem:$0x3FB9] =	sst s10  }
0x38: {  	s10 =	sld [smem:$0x3FBA]  }
0x39: {  	_ = 	snop;
	(pc) =	sbr.ind lr, $3  }
0x3a: {  	_ = 	snop  }
0x3b: {  	_ = 	snop  }
0x3c: {  	p2 =	seq.s32 s10, $0x1;
	s10 =	sld [smem:$0x3FB9]  }
0x3d: {  	_ =	shalt  }
0x3e: {  	_ =	shalt  }
0x3f: {  	_ =	shalt  }
0x40: {  	_ =	shalt  }
0x41: {  	_ =	shalt  }
0x42: {  	_ =	shalt  }
0x43: {  	_ =	shalt  }
0x44: {  	_ =	shalt  }
0x45: {  	_ =	shalt  }
0x46: {  	_ =	shalt  }
0x47: {  	_ =	shalt  }
0x48: {  	_ =	shalt  }
0x49: {  	_ =	shalt  }
0x4a: {  	_ =	shalt  }
0x4b: {  	_ =	shalt  }
0x4c: {  	_ =	shalt  }
0x4d: {  	_ =	shalt  }
0x4e: {  	_ =	shalt  }
0x4f: {  	_ =	shalt  }
0x50: {  	_ =	shalt  }
0x51: {  	_ =	shalt  }
0x52: {  	_ =	shalt  }
0x53: {  	_ =	shalt  }
0x54: {  	_ =	shalt  }
0x55: {  	_ =	shalt  }
0x56: {  	_ =	shalt  }
0x57: {  	_ =	shalt  }
0x58: {  	_ =	shalt  }
0x59: {  	_ =	shalt  }
0x5a: {  	_ =	shalt  }
0x5b: {  	_ =	shalt  }
0x5c: {  	_ =	shalt  }
0x5d: {  	_ =	shalt  }
0x5e: {  	_ =	shalt  }
0x5f: {  	_ =	shalt  }
0x60: {  	_ =	shalt  }
0x61: {  	_ =	shalt  }
0x62: {  	_ =	shalt  }
0x63: {  	_ =	shalt  }
0x64: {  	_ =	shalt  }
0x65: {  	_ =	shalt  }
0x66: {  	_ =	shalt  }
0x67: {  	_ =	shalt  }
0x68: {  	_ =	shalt  }
0x69: {  	_ =	shalt  }
0x6a: {  	_ =	shalt  }
0x6b: {  	_ =	shalt  }
0x6c: {  	_ =	shalt  }
0x6d: {  	_ =	shalt  }
0x6e: {  	_ =	shalt  }
0x6f: {  	_ =	shalt  }
0x70: {  	_ =	shalt  }
0x71: {  	_ =	shalt  }
0x72: {  	_ =	shalt  }
0x73: {  	_ =	shalt  }
0x74: {  	_ =	shalt  }
0x75: {  	_ =	shalt  }
0x76: {  	_ =	shalt  }
0x77: {  	_ =	shalt  }
0x78: {  	_ =	shalt  }
0x79: {  	_ =	shalt  }
0x7a: {  	_ =	shalt  }
0x7b: {  	_ =	shalt  }
0x7c: {  	_ =	shalt  }
0x7d: {  	_ =	shalt  }
0x7e: {  	_ =	shalt  }
0x7f: {  	_ =	shalt  }
0x80: {  	_ =	shalt  }
0x81: {  	_ =	shalt  }
0x82: {  	_ =	shalt  }
0x83: {  	_ =	shalt  }
0x84: {  	_ =	shalt  }
0x85: {  	_ =	shalt  }
0x86: {  	_ =	shalt  }
0x87: {  	_ =	shalt  }
.Lfunc_end0:
.L_simem_size_0:
called_computation.3_lowered:
.L_overlay_start_0:
0x88: {  	s2 =	sld [smem:$0x3FD9]  }
0x89: {  	s3 =	sld [smem:$0x3FFE];
	_ =	sdelay $0x1  }
0x8a: {  	s1 =	srdreg.scid  }
0x8b: {  	s0 =	sand.u32 $0x1, s1  }
0x8c: {  	s16 =	sshll.u32 s0, $0xA;
	s2 =	sadd.s32 s3, s2  }
0x8d: {  	s2 =	sadd.s32 s2, s16  }
0x8e: {  	[smem:$0x3FC5] =	sst s2  }
0x8f: {  	_ = 	snop  }
0x90: {  	(tm) =	ssettm $0x1  }
0x91: {  	s17 =	sld [smem:$0x3FFB];
	_ =	sdelay $0x3  }
0x92: {  	_ =	strace s17  }
0x93: {  	s2 =	sld [smem:$0x3FFC];
	_ =	sdelay $0x3  }
0x94: {  	_ =	strace s2  }
0x95: {  	s2 =	sld [smem:$0x3FFD];
	_ =	sdelay $0x3  }
0x96: {  	_ =	strace s2  }
0x97: {  	_ =	strace $0x8FFFFFFF  }
0x98: {  	s18 =	sld [smem:$0x3FDB];
	_ =	sdelay $0x1  }
0x99: {  	s19 =	simm.s32 $_scs_section_size  }
0x9a: {  	s4 =	simm.s32 $_size__tile_overlayer_lowered;
	s5 =	simm.s32 $_tile_overlayer_lowered  }
0x9b: {  	s22 =	simm.s32 $0x1BFF;
	s21 =	sshll.u32 s5, $0x1;
	s2 =	sadd.s32 s19, s18  }
0x9c: {  	s6 =	simm.s32 $0x0;
	s20 =	sshll.u32 s4, $0x1;
	s4 =	sadd.s32 s21, s2  }
0x9d: {  	[timem:s6], [sflag:s22] =	dma.local [hbm:s4], s20  }
0x9e: {  	_ =	swait.ge [sflag:s22], s20  }
0x9f: {  	s3 =	ssub.s32 $0x0, s20;
	[sflag:s22] =	ssyncset.done $0x0  }
0xa0: {  	[sflag:s22] =	ssyncadd.s32 s3;
	_ =	sdelay $0x1  }
0xa1: {  	s23 =	simm.s32 $0x1B8B  }
0xa2: {  	_ =	swait.ge [sflag:s23], $0x1  }
0xa3: {  	[sflag:s23] =	ssyncset.done $0x0  }
0xa4: {  	s25 =	simm.s32 $0x1B8E;
	s24 =	sld [smem:$0x3FFE];
	[sflag:s23] =	ssyncadd.s32 $0xFFFFFFFF  }
0xa5: {  	s26 =	simm.s32 $execute0_lowered;
	[smem:$0x3FD2] =	sst s25  }
0xa6: {  	s4 =	sshll.u32 s26, $0x1;
	_ =	strace $0x8000004F;
	[dreg:$0x1] =	wrdreg $0xFFFFFFFF  }
0xa7: {  	s28 =	simm.s32 $_size_execute0_lowered;
	s2 =	sadd.s32 s2, s4;
	[dreg:$0x0] =	wrdreg $0x0  }
0xa8: {  	s4 =	sshll.u32 s28, $0x1;
	[dreg:$0x2] =	wrdreg s2  }
0xa9: {  	[dreg:$0x3] =	wrdreg s4  }
0xaa: {  	[dreg:$0x4] =	wrdreg $0xC0  }
0xab: {  	_ =	task [dreg:s6], $0x5FFFF  }
0xac: {  	[dreg:$0x1] =	wrdreg $0xFFFFFFFF  }
0xad: {  	[dreg:$0x0] =	wrdreg $0x60  }
0xae: {  	[dreg:$0x2] =	wrdreg s24  }
0xaf: {  	[dreg:$0x3] =	wrdreg $0x9  }
0xb0: {  	_ =	task.clear_ibuf [dreg:s6], $0x4FFFF;
	_ =	strace $0x9000004F  }
0xb1: {  	s29 =	simm.s32 $0x9;
	_ =	strace $0x80000051  }
0xb2: {  	_ =	swait.ge [sflag:s29], $0x1  }
0xb3: {  	[sflag:s29] =	ssyncadd.s32 $0xFFFFFFFF  }
0xb4: {  	_ =	strace $0x90000051  }
0xb5: {  	_ =	sfence  }
0xb6: {  	s30 =	sld [smem:$0x0];
	_ =	sdelay $0x2  }
0xb7: {  	s31 =	sshll.u32 s1, $0xD;
	s1 =	sshrl.u32 s1, $0x2  }
0xb8: {  	s3 =	sand.u32 $0x4000, s31;
	s1 =	sadd.s32 s1, s30  }
0xb9: {  	s0 =	sor.u32 s3, s0;
	s1 =	sshll.u32 s1, $0x11  }
0xba: {  	s0 =	sor.u32 s1, s0  }
0xbb: {  	s0 =	sadd.s32 $0x8F2B, s0  }
0xbc: {  	[sflag:s0] =	ssyncadd.remote.s32 $0x1  }
0xbd: {  	_ =	sfence.sel $0xFFFF  }
0xbe: {  	[dreg:$0x0] =	wrdreg $0xFFFFFFFF;
	(pc) =	sbr.abs _section_cstart, $3  }
0xbf: {  	[dreg:$0x1] =	wrdreg $0xFFFFFFFF  }
0xc0: {  	_ =	task.clear_ibuf [dreg:s6], $0x2FFFF;
	_ =	strace $0x9FFFFFFF  }
0xc1: {  	(tm) =	ssettm $0x7FFFFFFF  }
tec
execute0_lowered:
.L_overlay_start_1:
0x0: {  	(tag) =	ssettag $0x1  }
0x1: {  	s2 =	rddreg [dreg:$0x0]  }
0x2: {  	s0 =	rddreg [dreg:$0x1]  }
0x3: {  	s1 =	srdreg.scid;
	_ =	strace $0x80000050;
	s4 =	simm.s32 $0x1  }
0x4: {  	s9 =	simm.s32 $0x3;
	s12 =	simm.s32 $0x0;
	s5 =	sshll.u32 s1, $0x4  }
.Ltmp0:
0x5: {  	s1 =	stileid.u32;
	s5 =	sand.u32 $0x10, s5;
	(pc) =	sbr.rel .LBB2_1-.Ltmp0, $4  }
0x6: {  	s10 =	simm.s32 $0x0;
	s3 =	sadd.s32 $0xC0400, s2;
	s6 =	sor.u32 s1, s5  }
0x7: {  	[sflag:s4] =	ssyncpa.u1 $0x0;
	s5 =	simm.s32 $0x2;
	s6 =	sshll.u32 s6, $0x8  }
0x8: {  	s7 =	sadd.s32 $0x20000, s2;
	[sflag:s5] =	ssyncpa.u1 $0x0;
	s8 =	sadd.s32 $0x100, s6  }
0x9: {  	vm0 =	vmmov $0xff;
	vm1 =	vcmask $0x3F20;
	[sflag:s9] =	ssyncpa.u1 $0x0;
	s9 =	simm.s32 $0x100;
	s11 =	smov.u32 s6  }
.LBB2_9:
0xa: {  	p0 =	seq.s32 s10, $0x2  }
.Ltmp1:
0xb: {  	_ = 	snop;
	(pc) =	sbr.rel @p0 .LBB2_11-.Ltmp1, $1  }
0xc: {  	_ =	sdelay $0x3  }
.LBB2_10:
0xd: {  	s12 =	sadd.s32 $0x100, s11  }
0xe: {  	s13 =	smov.u32 s6;
	p0 =	slt.s32 s12, s8  }
0xf: {  	s13 =	smov.u32 @p0 s12  }
0x10: {  	s10 =	sadd.s32 $0x1, s10;
	s12 =	smov.u32 s11;
	s11 =	smov.u32 s13  }
.LBB2_1:
0x11: {  	p0 =	sne.s32 s10, $0x0  }
.Ltmp2:
0x12: {  	_ = 	snop;
	(pc) =	sbr.rel @!p0 .LBB2_2-.Ltmp2, $1  }
0x13: {  	_ =	sdelay $0x3  }
0x14: {  	s13 =	sand.u32 $0x1, s10  }
0x15: {  	p0 =	seq.s32 s13, $0x0  }
.Ltmp3:
0x16: {  	_ = 	snop;
	(pc) =	sbr.rel @p0 .LBB2_9-.Ltmp3, $1  }
0x17: {  	_ =	sdelay $0x3  }
0x18: {  	_ =	swait.ge [sflag:s5], $0x100  }
0x19: {  	[sflag:s5] =	ssyncset.done $0x0  }
0x1a: {  	s13 =	simm.s32 $0x0;
	[sflag:s5] =	ssyncadd.s32 $0xFFFFFF00  }
0x1b: {  	v0 =	vld.msk [tilespmem:s13+$0x100 ss:$0x1], $0xffff;
	_ =	sdelay $0x4  }
0x1c: {  	vm2 =	vgt.s32 v0, $0x0  }
0x1d: {  	v0 =	vnsel vm2, $0x0, v0  }
0x1e: {  	v0 =	vmin.u32 v0, $0x1FFF  }
0x1f: {  	v0 =	vshll.u32 v0, $0x4;
	_ =	sdelay $0x3  }
0x20: {  	s13 =	simm.s32 $0x8200  }
0x21: {  	[tilespmem:s13], [sflag:$0x1] =	stream.indirect_vreg.gather [hbm:s2], $0x80, v0, vm0, $0x38;
	[tilespmem:$0x10200] =	vst v63  }
0x22: {  	s14 =	simm.s32 $0x8600;
	s31 =	simm.s32 $0x10  }
0x23: {  	[tilespmem:s14], [sflag:$0x1] =	stream.indirect_vreg.gather [hbm:s2], $0x80, v0, vm1, $0x38;
	[tilespmem:$0x10200] =	vst v63  }
0x24: {  	s14 =	simm.s32 $0x80;
	v0 =	vld.msk [tilespmem:s31+$0x100 ss:$0x1], $0xffff  }
.LBB2_5:
0x25: {  	p0 =	sne.s32 s14, $0x3C0;
	_ =	sdelay $0x4  }
0x26: {  	vm2 =	vgt.s32 v0, $0x0  }
0x27: {  	v0 =	vnsel vm2, $0x0, v0  }
0x28: {  	v0 =	vmin.u32 v0, $0x1FFF  }
0x29: {  	v0 =	vshll.u32 v0, $0x4;
	_ =	sdelay $0x3  }
.Ltmp4:
0x2a: {  	s13 =	sadd.s32 $0x800, s13;
	(pc) =	sbr.rel @p0 .LBB2_5-.Ltmp4, $4  }
0x2b: {  	[tilespmem:s13], [sflag:$0x1] =	stream.indirect_vreg.gather [hbm:s2], $0x80, v0, vm0, $0x38;
	[tilespmem:$0x10200] =	vst v63  }
0x2c: {  	s15 =	sshra.s32 s14, $0x2;
	s16 =	sadd.s32 $0x400, s13  }
0x2d: {  	[tilespmem:s16], [sflag:$0x1] =	stream.indirect_vreg.gather [hbm:s2], $0x80, v0, vm1, $0x38;
	[tilespmem:$0x10200] =	vst v63  }
0x2e: {  	s14 =	sadd.s32 $0x40, s14;
	v0 =	vld.msk [tilespmem:s15+$0x100 ss:$0x1], $0xffff  }
0x2f: {  	_ =	sdelay $0x3  }
0x30: {  	vm2 =	vgt.s32 v0, $0x0  }
0x31: {  	v0 =	vnsel vm2, $0x0, v0  }
0x32: {  	v0 =	vmin.u32 v0, $0x1FFF  }
0x33: {  	v0 =	vshll.u32 v0, $0x4;
	_ =	sdelay $0x3  }
0x34: {  	s13 =	sadd.s32 $0x800, s13  }
0x35: {  	[tilespmem:s13], [sflag:$0x1] =	stream.indirect_vreg.gather [hbm:s2], $0x80, v0, vm0, $0x38;
	[tilespmem:$0x10200] =	vst v63  }
0x36: {  	s13 =	sadd.s32 $0x400, s13  }
0x37: {  	[tilespmem:s13], [sflag:$0x1] =	stream.indirect_vreg.gather [hbm:s2], $0x80, v0, vm1, $0x38;
	[tilespmem:$0x10200] =	vst v63  }
0x38: {  	s12 =	sshll.u32 s12, $0x4;
	s14 =	simm.s32 $0x80;
	_ =	swait.ge [sflag:s4], $0x8000  }
0x39: {  	s15 =	simm.s32 $0x8600;
	s12 =	sadd.s32 s12, s7;
	[sflag:s4] =	ssyncset.done $0x0  }
0x3a: {  	s16 =	sadd.s32 $0x0, s12;
	s13 =	simm.s32 $0x8200;
	[sflag:s4] =	ssyncadd.s32 $0xFFFF8000  }
.LBB2_7:
0x3b: {  	[hbm:s16] =	stream.linear.scatter [tilespmem:s13], [sflag:$0x3], $0x400, $0x38;
	[tilespmem:$0x10200] =	vst v63  }
0x3c: {  	s16 =	smov.u32 s14;
	s13 =	smov.u32 s15;
	p0 =	sne.s32 s14, $0xF80  }
.Ltmp5:
0x3d: {  	s14 =	sadd.s32 $0x80, s14;
	(pc) =	sbr.rel @p0 .LBB2_7-.Ltmp5, $2  }
0x3e: {  	_ =	sdelay $0x2  }
0x3f: {  	s15 =	sadd.s32 $0x400, s15;
	s16 =	sadd.s32 s16, s12  }
.Ltmp6:
0x40: {  	(pc) =	sbr.rel .LBB2_9-.Ltmp6, $2  }
0x41: {  	_ =	sdelay $0x2  }
0x42: {  	[hbm:s16] =	stream.linear.scatter [tilespmem:s13], [sflag:$0x3], $0x400, $0x38;
	[tilespmem:$0x10200] =	vst v63  }
.LBB2_2:
.Ltmp7:
0x43: {  	(pc) =	sbr.rel .LBB2_10-.Ltmp7, $4  }
0x44: {  	_ = 	snop  }
0x45: {  	s12 =	sshrl.u32 s11, $0x3  }
0x46: {  	s13 =	sand.u32 $0x7, s11;
	s12 =	sadd.s32 s3, s12  }
0x47: {  	[tilespmem:s9], [sflag:$0x2] =	stream.linear.gather [hbm4b:s12+s13], $0x100, $0x38;
	[tilespmem:$0x10200] =	vst v63  }
.LBB2_11:
0x48: {  	s2 =	simm.s32 $0x3  }
0x49: {  	_ =	swait.ge [sflag:s2], $0x8000  }
0x4a: {  	[sflag:s2] =	ssyncset.done $0x0  }
0x4b: {  	[sflag:s2] =	ssyncadd.s32 $0xFFFF8000  }
0x4c: {  	_ =	sfence.sel $0x180000  }
0x4d: {  	s3 =	simm.s32 $0x2;
	[bflag:$0x0] =	sbarrier.arrive $0xFFFF  }
0x4e: {  	[sflag:s3] =	ssyncpa.u1 $0x1  }
0x4f: {  	s31 =	simm.s32 $0x1;
	[sflag:s2] =	ssyncpa.u1 $0x1  }
0x50: {  	[sflag:s31] =	ssyncpa.u1 $0x1  }
0x51: {  	p0 =	sne.s32 s1, $0x0;
	_ =	strace $0x90000050  }
0x52: {  	s0 =	sadd.s32 @!p0 $0x100000, s0;
	[bflag:$0x2] =	sbarrier.arrive $0xFFFF  }
0x53: {  	[sflag:s0] =	ssyncadd.tile.s32 @!p0 $0x1;
	_ =	shalt  }
.Lfunc_end2:
_tile_overlayer_lowered:
.L_overlay_start_2:
0x54: {  	(tag) =	ssettag $0x2  }
0x55: {  	s0 =	rddreg [dreg:$0x0];
	s2 =	stileid.u32  }
0x56: {  	s1 =	rddreg [dreg:$0x1];
	p0 =	sne.s32 s2, $0x0  }
0x57: {  	s3 =	rddreg [dreg:$0x2];
	[bflag:$0x3] =	sbarrier.arrive $0xFFFF;
	s2 =	simm.s32 @!p0 $0x1C01  }
0x58: {  	[timem:s3], [sflag:s2] =	dma.local @!p0 [hbm:s0], s1  }
0x59: {  	s0 =	simm.s32 @!p0 $0x1  }
0x5a: {  	_ =	swait.ge @!p0 [sflag:s0], s1  }
0x5b: {  	s1 =	ssub.s32 @!p0 $0x0, s1;
	[sflag:s0] =	ssyncset.done @!p0 $0x0  }
0x5c: {  	[sflag:s0] =	ssyncadd.s32 @!p0 s1  }
0x5d: {  	[bflag:$0x3] =	sbarrier.arrive $0xFFFF  }
0x5e: {  	_ =	shalt  }

// kernel: gather_offload_async_start
scs
__scs_entry_jumppad:
0x0: {  	(pc) =	sbr.rel $0x88, $3  }
0x1: {  	(tag) =	ssettag $0x0;
	lr =	simm.s32 $0x1  }
0x2: {  	[smem:$0x3F9E] =	sst lr;
	_ =	strace $0xD0000000  }
0x3: {  	_ = 	snop  }
0x4: {  	_ = 	snop  }
0x5: {  	_ = 	snop  }
0x6: {  	_ = 	snop  }
0x7: {  	_ = 	snop  }
__scs_overlays_trampoline_lowered:
0x8: {  	[smem:$0x3FAD] =	sst s0  }
0x9: {  	[smem:$0x3FAE] =	sst s1  }
0xa: {  	[smem:$0x3FAF] =	sst s2  }
0xb: {  	[smem:$0x3FB0] =	sst s3  }
0xc: {  	[smem:$0x3FB1] =	sst s4  }
0xd: {  	[smem:$0x3FB2] =	sst s5  }
0xe: {  	[smem:$0x3FB3] =	sst s6  }
0xf: {  	[smem:$0x3FB4] =	sst s7  }
0x10: {  	[smem:$0x3FB5] =	sst s8  }
0x11: {  	[smem:$0x3FB6] =	sst s9;
	s0 =	simm.s32 @!p0 $0x0  }
0x12: {  	s1 =	sld [smem:$0x3F9C];
	s0 =	simm.s32 @p0 $0x1  }
0x13: {  	[smem:$0x3FB7] =	sst s0;
	s0 =	simm.s32 @!p1 $0x0  }
0x14: {  	s2 =	sld [smem:$0x3F9B];
	s0 =	simm.s32 @p1 $0x1  }
0x15: {  	[smem:$0x3FB8] =	sst s0;
	s0 =	simm.s32 @!p2 $0x0  }
0x16: {  	s3 =	sld [smem:$0x3FDB];
	s0 =	simm.s32 @p2 $0x1  }
0x17: {  	s4 =	simm.s32 $0x1BF5;
	[smem:$0x3FBA] =	sst s0  }
0x18: {  	s0 =	sld [smem:$0x3F9D];
	_ =	swait.ge [sflag:s4], $0x0  }
0x19: {  	s7 =	sld [smem:$0x3F9E]  }
0x1a: {  	s8 =	sadd.s32 $0xFFFFE003, lr  }
0x1b: {  	s9 =	sadd.s32 $0xFFFFFEF7, lr;
	s5 =	simm.s32 $0xFFFFFFFF;
	p2 =	slt.u32 s8, $0xFFFFF086  }
0x1c: {  	p1 =	slt.u32 s9, $0xF7A;
	s5 =	simm.s32 @!p2 $0x0  }
0x1d: {  	s5 =	simm.s32 @p1 $0x1;
	p0 =	seq.s32 s7, s2  }
0x1e: {  	s7 =	smul.u32 @!p0 $0xF7A, s2;
	p2 =	seq.s32 @!p0 s5, $0x0  }
0x1f: {  	s9 =	smul.u32 $0xF7A, s1;
	s8 =	simm.s32 @!p0 $0x1BF5;
	p2 =	por !p2, p0  }
0x20: {  	[sflag:s8] =	ssyncset.s32 @!p0 $0xFFFFF086;
	s6 =	sadd.s32 @!p0 s3, s7;
	s7 =	simm.s32 @!p0 $0x108  }
0x21: {  	s3 =	sadd.s32 s3, s9;
	s6 =	sadd.s32 @!p0 $0x88, s6;
	s7 =	simm.s32 @p2 $0x1082  }
0x22: {  	[simem:s7], [sflag:s8] =	dma.local @!p0 [hbm:s6], $0xF7A  }
0x23: {  	s9 =	sor.u32 $0xD0000000, s2;
	s6 =	simm.s32 $0x108;
	_ =	swait.ge @!p0 [sflag:s8], $0x0  }
0x24: {  	s3 =	sadd.s32 $0x88, s3;
	s6 =	simm.s32 @!p1 $0x1082;
	[sflag:s4] =	ssyncset.s32 $0xFFFFF086  }
0x25: {  	[simem:s6], [sflag:s4] =	dma.local [hbm:s3], $0xF7A  }
0x26: {  	[smem:$0x3F9E] =	sst s1;
	(tag) =	ssettag s2;
	_ =	strace s9  }
0x27: {  	s1 =	sld [smem:$0x3FAE]  }
0x28: {  	s2 =	sld [smem:$0x3FAF]  }
0x29: {  	s4 =	sld [smem:$0x3FB1]  }
0x2a: {  	p0 =	seq.s32 s5, $0x0;
	s5 =	sld [smem:$0x3FB2]  }
0x2b: {  	s6 =	sld [smem:$0x3FB3]  }
0x2c: {  	s7 =	sld [smem:$0x3FB4]  }
0x2d: {  	s3 =	simm.s32 $0x108;
	s8 =	sld [smem:$0x3FB5]  }
0x2e: {  	s3 =	simm.s32 @!p0 $0x1082;
	s9 =	sld [smem:$0x3FB6]  }
0x2f: {  	lr =	sadd.s32 s0, s3;
	s0 =	sld [smem:$0x3FAD]  }
0x30: {  	s3 =	sld [smem:$0x3FB0]  }
0x31: {  	[smem:$0x3FB9] =	sst s10  }
0x32: {  	s10 =	sld [smem:$0x3FB7];
	_ =	sdelay $0x3  }
0x33: {  	p0 =	seq.s32 s10, $0x1;
	s10 =	sld [smem:$0x3FB9];
	_ =	sdelay $0x3  }
0x34: {  	[smem:$0x3FB9] =	sst s10  }
0x35: {  	s10 =	sld [smem:$0x3FB8];
	_ =	sdelay $0x3  }
0x36: {  	p1 =	seq.s32 s10, $0x1;
	s10 =	sld [smem:$0x3FB9];
	_ =	sdelay $0x3  }
0x37: {  	[smem:$0x3FB9] =	sst s10  }
0x38: {  	s10 =	sld [smem:$0x3FBA]  }
0x39: {  	_ = 	snop;
	(pc) =	sbr.ind lr, $3  }
0x3a: {  	_ = 	snop  }
0x3b: {  	_ = 	snop  }
0x3c: {  	p2 =	seq.s32 s10, $0x1;
	s10 =	sld [smem:$0x3FB9]  }
0x3d: {  	_ =	shalt  }
0x3e: {  	_ =	shalt  }
0x3f: {  	_ =	shalt  }
0x40: {  	_ =	shalt  }
0x41: {  	_ =	shalt  }
0x42: {  	_ =	shalt  }
0x43: {  	_ =	shalt  }
0x44: {  	_ =	shalt  }
0x45: {  	_ =	shalt  }
0x46: {  	_ =	shalt  }
0x47: {  	_ =	shalt  }
0x48: {  	_ =	shalt  }
0x49: {  	_ =	shalt  }
0x4a: {  	_ =	shalt  }
0x4b: {  	_ =	shalt  }
0x4c: {  	_ =	shalt  }
0x4d: {  	_ =	shalt  }
0x4e: {  	_ =	shalt  }
0x4f: {  	_ =	shalt  }
0x50: {  	_ =	shalt  }
0x51: {  	_ =	shalt  }
0x52: {  	_ =	shalt  }
0x53: {  	_ =	shalt  }
0x54: {  	_ =	shalt  }
0x55: {  	_ =	shalt  }
0x56: {  	_ =	shalt  }
0x57: {  	_ =	shalt  }
0x58: {  	_ =	shalt  }
0x59: {  	_ =	shalt  }
0x5a: {  	_ =	shalt  }
0x5b: {  	_ =	shalt  }
0x5c: {  	_ =	shalt  }
0x5d: {  	_ =	shalt  }
0x5e: {  	_ =	shalt  }
0x5f: {  	_ =	shalt  }
0x60: {  	_ =	shalt  }
0x61: {  	_ =	shalt  }
0x62: {  	_ =	shalt  }
0x63: {  	_ =	shalt  }
0x64: {  	_ =	shalt  }
0x65: {  	_ =	shalt  }
0x66: {  	_ =	shalt  }
0x67: {  	_ =	shalt  }
0x68: {  	_ =	shalt  }
0x69: {  	_ =	shalt  }
0x6a: {  	_ =	shalt  }
0x6b: {  	_ =	shalt  }
0x6c: {  	_ =	shalt  }
0x6d: {  	_ =	shalt  }
0x6e: {  	_ =	shalt  }
0x6f: {  	_ =	shalt  }
0x70: {  	_ =	shalt  }
0x71: {  	_ =	shalt  }
0x72: {  	_ =	shalt  }
0x73: {  	_ =	shalt  }
0x74: {  	_ =	shalt  }
0x75: {  	_ =	shalt  }
0x76: {  	_ =	shalt  }
0x77: {  	_ =	shalt  }
0x78: {  	_ =	shalt  }
0x79: {  	_ =	shalt  }
0x7a: {  	_ =	shalt  }
0x7b: {  	_ =	shalt  }
0x7c: {  	_ =	shalt  }
0x7d: {  	_ =	shalt  }
0x7e: {  	_ =	shalt  }
0x7f: {  	_ =	shalt  }
0x80: {  	_ =	shalt  }
0x81: {  	_ =	shalt  }
0x82: {  	_ =	shalt  }
0x83: {  	_ =	shalt  }
0x84: {  	_ =	shalt  }
0x85: {  	_ =	shalt  }
0x86: {  	_ =	shalt  }
0x87: {  	_ =	shalt  }
.Lfunc_end0:
.L_simem_size_0:
called_computation_lowered:
.L_overlay_start_0:
0x88: {  	s2 =	sld [smem:$0x3FD9]  }
0x89: {  	s3 =	sld [smem:$0x3FFE];
	_ =	sdelay $0x1  }
0x8a: {  	s1 =	srdreg.scid  }
0x8b: {  	s0 =	sand.u32 $0x1, s1  }
0x8c: {  	s17 =	sshll.u32 s0, $0xA;
	s2 =	sadd.s32 s3, s2  }
0x8d: {  	s2 =	sadd.s32 s2, s17  }
0x8e: {  	[smem:$0x3FC5] =	sst s2  }
0x8f: {  	_ = 	snop  }
0x90: {  	s18 =	sld [smem:$0x3FD0];
	(tm) =	ssettm $0x1  }
0x91: {  	s19 =	sld [smem:$0x3FFB];
	_ =	sdelay $0x3  }
0x92: {  	_ =	strace s19  }
0x93: {  	s2 =	sld [smem:$0x3FFC];
	_ =	sdelay $0x3  }
0x94: {  	_ =	strace s2  }
0x95: {  	s2 =	sld [smem:$0x3FFD];
	_ =	sdelay $0x3  }
0x96: {  	_ =	strace s2  }
0x97: {  	_ =	strace $0x8FFFFFFF  }
0x98: {  	s20 =	sld [smem:$0x3FDB];
	_ =	sdelay $0x1  }
0x99: {  	s4 =	simm.s32 $_scs_section_size  }
0x9a: {  	s5 =	simm.s32 $_size__tile_overlayer_lowered;
	s6 =	simm.s32 $_tile_overlayer_lowered  }
0x9b: {  	s7 =	simm.s32 $0x1BFF;
	s21 =	sshll.u32 s6, $0x1;
	s4 =	sadd.s32 s4, s20  }
0x9c: {  	s22 =	simm.s32 $0x0;
	s5 =	sshll.u32 s5, $0x1;
	s6 =	sadd.s32 s21, s4  }
0x9d: {  	[timem:s22], [sflag:s7] =	dma.local [hbm:s6], s5  }
0x9e: {  	_ =	swait.ge [sflag:s7], s5  }
0x9f: {  	s5 =	ssub.s32 $0x0, s5;
	[sflag:s7] =	ssyncset.done $0x0  }
0xa0: {  	[sflag:s7] =	ssyncadd.s32 s5;
	_ =	sdelay $0x1  }
0xa1: {  	s23 =	simm.s32 $0x1B8B  }
0xa2: {  	_ =	swait.ge [sflag:s23], $0x1  }
0xa3: {  	[sflag:s23] =	ssyncset.done $0x0  }
0xa4: {  	[sflag:s23] =	ssyncadd.s32 $0xFFFFFFFF  }
0xa5: {  	s5 =	sld [smem:$0x0]  }
0xa6: {  	s6 =	sand.u32 $0xFFFFFFFE, s1  }
0xa7: {  	p0 =	sne.s32 s1, s6  }
0xa8: {  	s6 =	sshll.u32 @p0 s6, $0xE  }
0xa9: {  	s6 =	sadd.s32 @p0 $0x11B8D, s6;
	s7 =	sshll.u32 @p0 s5, $0x11  }
0xaa: {  	s6 =	sor.u32 @p0 s7, s6  }
0xab: {  	[sflag:s6] =	ssyncadd.remote.s32 @p0 $0x1;
	_ =	sdelay $0x1  }
0xac: {  	s6 =	simm.s32 @p0 $0x1B8D  }
0xad: {  	_ =	swait.eq @p0 [sflag:s6], $0x1  }
0xae: {  	[sflag:s6] =	ssyncadd.s32 @p0 $0xFFFFFFFF  }
0xaf: {  	s7 =	sshll.u32 @!p0 s1, $0xE  }
0xb0: {  	s7 =	sor.u32 @!p0 $0x4000, s7;
	s6 =	simm.s32 @!p0 $0x1B8D  }
0xb1: {  	s5 =	sshll.u32 @!p0 s5, $0x11;
	s7 =	sadd.s32 @!p0 $0x11B8D, s7;
	_ =	swait.eq @!p0 [sflag:s6], $0x1  }
0xb2: {  	s5 =	sor.u32 @!p0 s5, s7;
	[sflag:s6] =	ssyncadd.s32 @!p0 $0xFFFFFFFF  }
0xb3: {  	s25 =	simm.s32 $0x1B8E;
	s24 =	sld [smem:$0x3FFE];
	[sflag:s5] =	ssyncadd.remote.s32 @!p0 $0x1  }
0xb4: {  	s26 =	simm.s32 $execute0_lowered;
	[smem:$0x3FD2] =	sst s25  }
0xb5: {  	s6 =	sshll.u32 s26, $0x1;
	_ =	strace $0x8000004C;
	[dreg:$0x1] =	wrdreg $0xFFFFFFFF  }
0xb6: {  	s28 =	simm.s32 $_size_execute0_lowered;
	s4 =	sadd.s32 s4, s6;
	[dreg:$0x0] =	wrdreg $0x0  }
0xb7: {  	s6 =	sshll.u32 s28, $0x1;
	[dreg:$0x2] =	wrdreg s4  }
0xb8: {  	[dreg:$0x3] =	wrdreg s6  }
0xb9: {  	[dreg:$0x4] =	wrdreg $0xC0  }
0xba: {  	_ =	task [dreg:s22], $0x5FFFF  }
0xbb: {  	[dreg:$0x1] =	wrdreg $0xFFFFFFFF  }
0xbc: {  	[dreg:$0x0] =	wrdreg $0x60  }
0xbd: {  	[dreg:$0x2] =	wrdreg s24  }
0xbe: {  	[dreg:$0x3] =	wrdreg s18  }
0xbf: {  	[dreg:$0x4] =	wrdreg $0x9  }
0xc0: {  	_ =	task.clear_ibuf [dreg:s22], $0x5FFFF;
	_ =	strace $0x9000004C  }
0xc1: {  	s29 =	simm.s32 $0x9;
	_ =	strace $0x8000004E  }
0xc2: {  	_ =	swait.ge [sflag:s29], $0x1  }
0xc3: {  	[sflag:s29] =	ssyncadd.s32 $0xFFFFFFFF  }
0xc4: {  	_ =	strace $0x9000004E  }
0xc5: {  	_ =	sfence  }
0xc6: {  	s30 =	sld [smem:$0x0];
	_ =	sdelay $0x2  }
0xc7: {  	s31 =	sshll.u32 s1, $0xD;
	s1 =	sshrl.u32 s1, $0x2  }
0xc8: {  	s4 =	sand.u32 $0x4000, s31;
	s1 =	sadd.s32 s1, s30  }
0xc9: {  	s0 =	sor.u32 s4, s0;
	s1 =	sshll.u32 s1, $0x11  }
0xca: {  	s0 =	sor.u32 s1, s0  }
0xcb: {  	s0 =	sadd.s32 $0x8F2B, s0  }
0xcc: {  	[sflag:s0] =	ssyncadd.remote.s32 $0x1  }
0xcd: {  	_ =	sfence.sel $0xFFFF  }
0xce: {  	[dreg:$0x0] =	wrdreg $0xFFFFFFFF;
	(pc) =	sbr.abs _section_cstart, $3  }
0xcf: {  	[dreg:$0x1] =	wrdreg $0xFFFFFFFF  }
0xd0: {  	_ =	task.clear_ibuf [dreg:s22], $0x2FFFF;
	_ =	strace $0x9FFFFFFF  }
0xd1: {  	(tm) =	ssettm $0x7FFFFFFF  }
tec
execute0_lowered:
.L_overlay_start_1:
0x0: {  	(tag) =	ssettag $0x1  }
0x1: {  	s7 =	rddreg [dreg:$0x0]  }
0x2: {  	s2 =	rddreg [dreg:$0x1]  }
0x3: {  	s0 =	rddreg [dreg:$0x2]  }
0x4: {  	s1 =	srdreg.scid;
	_ =	strace $0x8000004D;
	s4 =	simm.s32 $0x1  }
0x5: {  	s9 =	simm.s32 $0x3;
	s12 =	simm.s32 $0x0;
	s5 =	sshll.u32 s1, $0x4  }
.Ltmp0:
0x6: {  	s1 =	stileid.u32;
	s5 =	sand.u32 $0x10, s5;
	(pc) =	sbr.rel .LBB2_1-.Ltmp0, $4  }
0x7: {  	s10 =	simm.s32 $0x0;
	s3 =	sadd.s32 $0x80400, s7;
	s6 =	sor.u32 s1, s5  }
0x8: {  	[sflag:s4] =	ssyncpa.u1 $0x0;
	s5 =	simm.s32 $0x2;
	s6 =	sshll.u32 s6, $0x8  }
0x9: {  	s7 =	sadd.s32 $0xA0400, s7;
	[sflag:s5] =	ssyncpa.u1 $0x0;
	s8 =	sadd.s32 $0x100, s6  }
0xa: {  	vm0 =	vmmov $0xff;
	vm1 =	vcmask $0x3F20;
	[sflag:s9] =	ssyncpa.u1 $0x0;
	s9 =	simm.s32 $0x100;
	s11 =	smov.u32 s6  }
.LBB2_9:
0xb: {  	p0 =	seq.s32 s10, $0x2  }
.Ltmp1:
0xc: {  	_ = 	snop;
	(pc) =	sbr.rel @p0 .LBB2_11-.Ltmp1, $1  }
0xd: {  	_ =	sdelay $0x3  }
.LBB2_10:
0xe: {  	s12 =	sadd.s32 $0x100, s11  }
0xf: {  	s13 =	smov.u32 s6;
	p0 =	slt.s32 s12, s8  }
0x10: {  	s13 =	smov.u32 @p0 s12  }
0x11: {  	s10 =	sadd.s32 $0x1, s10;
	s12 =	smov.u32 s11;
	s11 =	smov.u32 s13  }
.LBB2_1:
0x12: {  	p0 =	sne.s32 s10, $0x0  }
.Ltmp2:
0x13: {  	_ = 	snop;
	(pc) =	sbr.rel @!p0 .LBB2_2-.Ltmp2, $1  }
0x14: {  	_ =	sdelay $0x3  }
0x15: {  	s13 =	sand.u32 $0x1, s10  }
0x16: {  	p0 =	seq.s32 s13, $0x0  }
.Ltmp3:
0x17: {  	_ = 	snop;
	(pc) =	sbr.rel @p0 .LBB2_9-.Ltmp3, $1  }
0x18: {  	_ =	sdelay $0x3  }
0x19: {  	_ =	swait.ge [sflag:s5], $0x100  }
0x1a: {  	[sflag:s5] =	ssyncset.done $0x0  }
0x1b: {  	s13 =	simm.s32 $0x0;
	[sflag:s5] =	ssyncadd.s32 $0xFFFFFF00  }
0x1c: {  	v0 =	vld.msk [tilespmem:s13+$0x100 ss:$0x1], $0xffff;
	_ =	sdelay $0x4  }
0x1d: {  	vm2 =	vgt.s32 v0, $0x0  }
0x1e: {  	v0 =	vnsel vm2, $0x0, v0  }
0x1f: {  	v0 =	vmin.u32 v0, $0x1FFF  }
0x20: {  	v0 =	vshll.u32 v0, $0x4;
	_ =	sdelay $0x3  }
0x21: {  	s13 =	simm.s32 $0x8200  }
0x22: {  	[tilespmem:s13], [sflag:$0x1] =	stream.indirect_vreg.gather [hbm:s3], $0x80, v0, vm0, $0x38;
	[tilespmem:$0x10200] =	vst v63  }
0x23: {  	s14 =	simm.s32 $0x8600;
	s31 =	simm.s32 $0x10  }
0x24: {  	[tilespmem:s14], [sflag:$0x1] =	stream.indirect_vreg.gather [hbm:s3], $0x80, v0, vm1, $0x38;
	[tilespmem:$0x10200] =	vst v63  }
0x25: {  	s14 =	simm.s32 $0x80;
	v0 =	vld.msk [tilespmem:s31+$0x100 ss:$0x1], $0xffff  }
.LBB2_5:
0x26: {  	p0 =	sne.s32 s14, $0x3C0;
	_ =	sdelay $0x4  }
0x27: {  	vm2 =	vgt.s32 v0, $0x0  }
0x28: {  	v0 =	vnsel vm2, $0x0, v0  }
0x29: {  	v0 =	vmin.u32 v0, $0x1FFF  }
0x2a: {  	v0 =	vshll.u32 v0, $0x4;
	_ =	sdelay $0x3  }
.Ltmp4:
0x2b: {  	s13 =	sadd.s32 $0x800, s13;
	(pc) =	sbr.rel @p0 .LBB2_5-.Ltmp4, $4  }
0x2c: {  	[tilespmem:s13], [sflag:$0x1] =	stream.indirect_vreg.gather [hbm:s3], $0x80, v0, vm0, $0x38;
	[tilespmem:$0x10200] =	vst v63  }
0x2d: {  	s15 =	sshra.s32 s14, $0x2;
	s16 =	sadd.s32 $0x400, s13  }
0x2e: {  	[tilespmem:s16], [sflag:$0x1] =	stream.indirect_vreg.gather [hbm:s3], $0x80, v0, vm1, $0x38;
	[tilespmem:$0x10200] =	vst v63  }
0x2f: {  	s14 =	sadd.s32 $0x40, s14;
	v0 =	vld.msk [tilespmem:s15+$0x100 ss:$0x1], $0xffff  }
0x30: {  	_ =	sdelay $0x3  }
0x31: {  	vm2 =	vgt.s32 v0, $0x0  }
0x32: {  	v0 =	vnsel vm2, $0x0, v0  }
0x33: {  	v0 =	vmin.u32 v0, $0x1FFF  }
0x34: {  	v0 =	vshll.u32 v0, $0x4;
	_ =	sdelay $0x3  }
0x35: {  	s13 =	sadd.s32 $0x800, s13  }
0x36: {  	[tilespmem:s13], [sflag:$0x1] =	stream.indirect_vreg.gather [hbm:s3], $0x80, v0, vm0, $0x38;
	[tilespmem:$0x10200] =	vst v63  }
0x37: {  	s13 =	sadd.s32 $0x400, s13  }
0x38: {  	[tilespmem:s13], [sflag:$0x1] =	stream.indirect_vreg.gather [hbm:s3], $0x80, v0, vm1, $0x38;
	[tilespmem:$0x10200] =	vst v63  }
0x39: {  	s12 =	sshll.u32 s12, $0x4;
	s14 =	simm.s32 $0x80;
	_ =	swait.ge [sflag:s4], $0x8000  }
0x3a: {  	s15 =	simm.s32 $0x8600;
	s12 =	sadd.s32 s12, s7;
	[sflag:s4] =	ssyncset.done $0x0  }
0x3b: {  	s16 =	sadd.s32 $0x0, s12;
	s13 =	simm.s32 $0x8200;
	[sflag:s4] =	ssyncadd.s32 $0xFFFF8000  }
.LBB2_7:
0x3c: {  	[hbm:s16] =	stream.linear.scatter [tilespmem:s13], [sflag:$0x3], $0x400, $0x38;
	[tilespmem:$0x10200] =	vst v63  }
0x3d: {  	s16 =	smov.u32 s14;
	s13 =	smov.u32 s15;
	p0 =	sne.s32 s14, $0xF80  }
.Ltmp5:
0x3e: {  	s14 =	sadd.s32 $0x80, s14;
	(pc) =	sbr.rel @p0 .LBB2_7-.Ltmp5, $2  }
0x3f: {  	_ =	sdelay $0x2  }
0x40: {  	s15 =	sadd.s32 $0x400, s15;
	s16 =	sadd.s32 s16, s12  }
.Ltmp6:
0x41: {  	(pc) =	sbr.rel .LBB2_9-.Ltmp6, $2  }
0x42: {  	_ =	sdelay $0x2  }
0x43: {  	[hbm:s16] =	stream.linear.scatter [tilespmem:s13], [sflag:$0x3], $0x400, $0x38;
	[tilespmem:$0x10200] =	vst v63  }
.LBB2_2:
.Ltmp7:
0x44: {  	(pc) =	sbr.rel .LBB2_10-.Ltmp7, $4  }
0x45: {  	_ = 	snop  }
0x46: {  	s12 =	sshrl.u32 s11, $0x3  }
0x47: {  	s13 =	sand.u32 $0x7, s11;
	s12 =	sadd.s32 s2, s12  }
0x48: {  	[tilespmem:s9], [sflag:$0x2] =	stream.linear.gather [hbm4b:s12+s13], $0x100, $0x38;
	[tilespmem:$0x10200] =	vst v63  }
.LBB2_11:
0x49: {  	s2 =	simm.s32 $0x3  }
0x4a: {  	_ =	swait.ge [sflag:s2], $0x8000  }
0x4b: {  	[sflag:s2] =	ssyncset.done $0x0  }
0x4c: {  	[sflag:s2] =	ssyncadd.s32 $0xFFFF8000  }
0x4d: {  	_ =	sfence.sel $0x180000  }
0x4e: {  	s3 =	simm.s32 $0x2;
	[bflag:$0x0] =	sbarrier.arrive $0xFFFF  }
0x4f: {  	[sflag:s3] =	ssyncpa.u1 $0x1  }
0x50: {  	s31 =	simm.s32 $0x1;
	[sflag:s2] =	ssyncpa.u1 $0x1  }
0x51: {  	[sflag:s31] =	ssyncpa.u1 $0x1  }
0x52: {  	p0 =	sne.s32 s1, $0x0;
	_ =	strace $0x9000004D  }
0x53: {  	s0 =	sadd.s32 @!p0 $0x100000, s0;
	[bflag:$0x2] =	sbarrier.arrive $0xFFFF  }
0x54: {  	[sflag:s0] =	ssyncadd.tile.s32 @!p0 $0x1;
	_ =	shalt  }
.Lfunc_end2:
_tile_overlayer_lowered:
.L_overlay_start_2:
0x55: {  	(tag) =	ssettag $0x2  }
0x56: {  	s0 =	rddreg [dreg:$0x0];
	s2 =	stileid.u32  }
0x57: {  	s1 =	rddreg [dreg:$0x1];
	p0 =	sne.s32 s2, $0x0  }
0x58: {  	s3 =	rddreg [dreg:$0x2];
	[bflag:$0x3] =	sbarrier.arrive $0xFFFF;
	s2 =	simm.s32 @!p0 $0x1C01  }
0x59: {  	[timem:s3], [sflag:s2] =	dma.local @!p0 [hbm:s0], s1  }
0x5a: {  	s0 =	simm.s32 @!p0 $0x1  }
0x5b: {  	_ =	swait.ge @!p0 [sflag:s0], s1  }
0x5c: {  	s1 =	ssub.s32 @!p0 $0x0, s1;
	[sflag:s0] =	ssyncset.done @!p0 $0x0  }
0x5d: {  	[sflag:s0] =	ssyncadd.s32 @!p0 s1  }
0x5e: {  	[bflag:$0x3] =	sbarrier.arrive $0xFFFF  }
0x5f: {  	_ =	shalt  }

</sc_bundles>
